<compile_context>
chip_gen: v7x
topology: tpu7x:2x2x1
jax: 0.10.2.dev20260603
libtpu: 0.0.44.dev20260713+nightly
codegen_flags: <defaults>
</compile_context>

<pallas_src>
import functools

import jax
import jax.numpy as jnp
from jax import lax
from jax.experimental import pallas as pl
from jax.experimental.pallas import tpu as pltpu
from jax.experimental.pallas import tpu_sc as plsc

_B = 1024
_D = 64
_N_NEG = 5
_TOTAL = _B * (2 + _N_NEG)

_NC = 2
_NS = 16
_NW = _NC * _NS
_RPW = _TOTAL // _NW
_BAT = 112
_NB = _RPW // _BAT

_TN = 512
_NT = (_TOTAL - _B) // _TN
_POS_T = _B // _TN


_HPC = _TOTAL // 2
_CHK = 512


def _sc_gather(table, idx):
    mesh = plsc.ScalarSubcoreMesh(axis_name="c")

    @functools.partial(
        pl.kernel,
        out_type=jax.ShapeDtypeStruct((_TOTAL, _D), jnp.float32),
        mesh=mesh,
        scratch_types=[
            pltpu.SMEM((_CHK,), jnp.int32),
            pltpu.VMEM_SHARED((_HPC, _D), jnp.float32),
            pltpu.SemaphoreType.DMA,
        ],
    )
    def gather_k(table_hbm, idx_hbm, out_hbm, idx_s, stage, gsem):
        cid = lax.axis_index("c")
        base = cid * _HPC
        for ch in range(_HPC // _CHK):
            pltpu.sync_copy(
                idx_hbm.at[pl.ds(base + ch * _CHK, _CHK)], idx_s
            )

            def issue(r, carry, _ch=ch):
                i = idx_s[r]
                pltpu.async_copy(
                    table_hbm.at[pl.ds(i, 1)],
                    stage.at[pl.ds(_ch * _CHK + r, 1)],
                    gsem,
                )
                return carry

            lax.fori_loop(0, _CHK, issue, 0, unroll=8)

        def drain(r, carry):
            pltpu.make_async_copy(
                table_hbm.at[pl.ds(0, 1)],
                stage.at[pl.ds(0, 1)],
                gsem,
            ).wait()
            return carry

        lax.fori_loop(0, _HPC, drain, 0, unroll=8)
        pltpu.sync_copy(stage, out_hbm.at[pl.ds(base, _HPC)])

    return gather_k(table, idx)


def _tc_body(lhs_ref, rhs_ref, out_ref):
    i = pl.program_id(0)
    logits = lax.dot_general(
        lhs_ref[...], rhs_ref[...],
        (((1,), (1,)), ((), ())),
        preferred_element_type=jnp.float32,
    )
    is_pos = i < _POS_T
    sign = jnp.where(is_pos, -1.0, 1.0).astype(jnp.float32)
    x = logits * sign
    tile_sum = jnp.sum(jnp.maximum(x, 0.0) + jnp.log1p(jnp.exp(-jnp.abs(x))))
    w = jnp.where(
        is_pos, 0.5 / (_B * _B), 0.5 / (_B * _B * _N_NEG)
    ).astype(jnp.float32)

    @pl.when(i == 0)
    def _():
        out_ref[...] = jnp.zeros_like(out_ref)

    out_ref[...] += jnp.full((1, 1), tile_sum * w, jnp.float32)


def _tc_loss(rows):
    return pl.pallas_call(
        _tc_body,
        grid=(_NT,),
        in_specs=[
            pl.BlockSpec((_B, _D), lambda i: (0, 0)),
            pl.BlockSpec((_TN, _D), lambda i: (i + _POS_T, 0)),
        ],
        out_specs=pl.BlockSpec((1, 1), lambda i: (0, 0)),
        out_shape=jax.ShapeDtypeStruct((1, 1), jnp.float32),
    )(rows, rows)


def kernel(src, pos, neg, table):
    idx = jnp.concatenate([src, pos, neg.reshape(-1)])
    rows = _sc_gather(table, idx)
    return _tc_loss(rows)[0, 0]

# --- scband reference (transcript-rebuilt; emitter-appended) ---
"""Pipeline reference for scband-skip-gram-model-28071906247305 (READ-ONLY COPY).

The authoritative reference and input builder live on the scoring server;
editing this copy changes nothing except your own understanding.
"""

import jax, jax.numpy as jnp
import numpy as np

NUM_NODES = 1000000
EMBED_DIM = 64
B = 1024
N_NEG = 5


def setup_inputs(seed: int = 0) -> dict:
    key = jax.random.key(seed)
    k1, k2, k3, k4 = jax.random.split(key, 4)
    src = jax.random.randint(k1, (B,), 0, NUM_NODES, dtype=jnp.int32)
    pos = jax.random.randint(k2, (B,), 0, NUM_NODES, dtype=jnp.int32)
    neg = jax.random.randint(k3, (B, N_NEG), 0, NUM_NODES, dtype=jnp.int32)
    # xavier_uniform for nn.Embedding weight of shape [num_nodes, embed_dim]
    bound = float(np.sqrt(6.0 / (NUM_NODES + EMBED_DIM)))
    table = jax.random.uniform(k4, (NUM_NODES, EMBED_DIM), minval=-bound, maxval=bound, dtype=jnp.float32)
    return {"src": src, "pos": pos, "neg": neg, "table": table}


def _bce_with_logits_ones(logits):
    # BCEWithLogitsLoss with target=1: mean(log(1 + exp(-x)))
    return jnp.mean(jnp.logaddexp(0.0, -logits))


def _bce_with_logits_zeros(logits):
    # BCEWithLogitsLoss with target=0: mean(log(1 + exp(x)))
    return jnp.mean(jnp.logaddexp(0.0, logits))


def reference(src, pos, neg, table):
    embed_src = jnp.take(table, src, axis=0)            # [B, D]
    embed_pos = jnp.take(table, pos, axis=0)            # [B, D]
    embed_neg = jnp.take(table, neg, axis=0)            # [B, N_NEG, D]

    pos_logits = jnp.matmul(embed_src, embed_pos.T)     # [B, B]
    pos_loss = _bce_with_logits_ones(pos_logits)

    # torch.matmul([B, D], [B, D, N_NEG]) broadcasts the 2D lhs -> [B, B, N_NEG]
    neg_logits = jnp.matmul(embed_src, jnp.swapaxes(embed_neg, 1, 2))  # [B, B, N_NEG]
    neg_loss = _bce_with_logits_zeros(neg_logits)

    loss = (pos_loss + neg_loss) / 2.0
    return loss

if __name__ == "__main__":
    import jax
    _d = setup_inputs()
    print(jax.jit(kernel)(*tuple(_d.values())))

</pallas_src>

<mosaic_0001>
#map = affine_map<(d0) -> (0, 0)>
#map1 = affine_map<(d0) -> (0)>
module attributes {stable_mosaic.version = 14 : i64} {
  func.func @gather_k(%arg0: i32, %arg1: memref<1000000x64xf32, #tpu.memory_space<hbm>>, %arg2: memref<7168xi32, #tpu.memory_space<hbm>>, %arg3: memref<7168x64xf32, #tpu.memory_space<hbm>>, %arg4: memref<512xi32, #tpu.memory_space<smem>>, %arg5: memref<3584x64xf32, #tpu.memory_space<vmem_shared>>, %arg6: memref<!tpu.dma_semaphore, #tpu.memory_space<semaphore_mem>>) attributes {dimension_semantics = [#tpu.dimension_semantics<core_parallel>], iteration_bounds = array<i64: 2>, scalar_prefetch = 0 : i64, scratch_operands = 3 : i64, tpu.core_type = #tpu.core_type<sc_scalar_subcore>, window_params = [{transform_indices = #map}, {transform_indices = #map1}, {transform_indices = #map}]} {
    %mul3A = arith.constant 3584 : i32
    %mul3A_0 = arith.muli %arg0, %mul3A : i32
    %add3A = arith.constant 0 : i32
    %add3A_1 = arith.addi %mul3A_0, %add3A : i32
    "tpu.region"() ({
      %run_scoped3A = tpu.sem_alloc : memref<!tpu.dma_semaphore, #tpu.memory_space<semaphore_mem>>
      %dma_start3A = tpu.memref_slice %arg2[%add3A_1] : memref<7168xi32, #tpu.memory_space<hbm>> -> memref<512xi32, #tpu.memory_space<hbm>>
      tpu.enqueue_dma source(%dma_start3A : memref<512xi32, #tpu.memory_space<hbm>>) target(%arg4 : memref<512xi32, #tpu.memory_space<smem>>) target_semaphore(%run_scoped3A : memref<!tpu.dma_semaphore, #tpu.memory_space<semaphore_mem>>)
      %dma_wait3A = tpu.memref_slice %arg2[%add3A_1] : memref<7168xi32, #tpu.memory_space<hbm>> -> memref<512xi32, #tpu.memory_space<hbm>>
      tpu.wait_dma2 semaphore(%run_scoped3A : memref<!tpu.dma_semaphore, #tpu.memory_space<semaphore_mem>>) src(%dma_wait3A : memref<512xi32, #tpu.memory_space<hbm>>) dst(%arg4 : memref<512xi32, #tpu.memory_space<smem>>)
      tpu.yield
    }) : () -> ()
    %scan3A = arith.constant 0 : i32
    %scan3A_2 = arith.constant 0 : i32
    %scan3A_3 = arith.constant 512 : i32
    %scan3A_4 = arith.addi %scan3A_2, %scan3A_3 : i32
    %scan3A_5 = arith.constant 8 : i32
    scf.for %scan3A_61 = %scan3A_2 to %scan3A_4 step %scan3A_5  : i32 {
      %get3A = arith.index_cast %scan3A_61 : i32 to index
      %get3A_62 = memref.load %arg4[%get3A] : memref<512xi32, #tpu.memory_space<smem>>
      %add3A_63 = arith.constant 0 : i32
      %add3A_64 = arith.addi %add3A_63, %scan3A_61 : i32
      %dma_start3A = arith.constant 0 : i32
      %dma_start3A_65 = tpu.memref_slice %arg5[%add3A_64, %dma_start3A] : memref<3584x64xf32, #tpu.memory_space<vmem_shared>> -> memref<1x64xf32, #tpu.memory_space<vmem_shared>>
      %dma_start3A_66 = arith.constant 0 : i32
      %dma_start3A_67 = tpu.memref_slice %arg1[%get3A_62, %dma_start3A_66] : memref<1000000x64xf32, #tpu.memory_space<hbm>> -> memref<1x64xf32, #tpu.memory_space<hbm>>
      tpu.enqueue_dma source(%dma_start3A_67 : memref<1x64xf32, #tpu.memory_space<hbm>>) target(%dma_start3A_65 : memref<1x64xf32, #tpu.memory_space<vmem_shared>>) target_semaphore(%arg6 : memref<!tpu.dma_semaphore, #tpu.memory_space<semaphore_mem>>)
      %scan3A_68 = arith.constant 1 : i32
      %scan3A_69 = arith.addi %scan3A_61, %scan3A_68 : i32
      %get3A_70 = arith.index_cast %scan3A_69 : i32 to index
      %get3A_71 = memref.load %arg4[%get3A_70] : memref<512xi32, #tpu.memory_space<smem>>
      %add3A_72 = arith.constant 0 : i32
      %add3A_73 = arith.addi %add3A_72, %scan3A_69 : i32
      %dma_start3A_74 = arith.constant 0 : i32
      %dma_start3A_75 = tpu.memref_slice %arg5[%add3A_73, %dma_start3A_74] : memref<3584x64xf32, #tpu.memory_space<vmem_shared>> -> memref<1x64xf32, #tpu.memory_space<vmem_shared>>
      %dma_start3A_76 = arith.constant 0 : i32
      %dma_start3A_77 = tpu.memref_slice %arg1[%get3A_71, %dma_start3A_76] : memref<1000000x64xf32, #tpu.memory_space<hbm>> -> memref<1x64xf32, #tpu.memory_space<hbm>>
      tpu.enqueue_dma source(%dma_start3A_77 : memref<1x64xf32, #tpu.memory_space<hbm>>) target(%dma_start3A_75 : memref<1x64xf32, #tpu.memory_space<vmem_shared>>) target_semaphore(%arg6 : memref<!tpu.dma_semaphore, #tpu.memory_space<semaphore_mem>>)
      %scan3A_78 = arith.constant 2 : i32
      %scan3A_79 = arith.addi %scan3A_61, %scan3A_78 : i32
      %get3A_80 = arith.index_cast %scan3A_79 : i32 to index
      %get3A_81 = memref.load %arg4[%get3A_80] : memref<512xi32, #tpu.memory_space<smem>>
      %add3A_82 = arith.constant 0 : i32
      %add3A_83 = arith.addi %add3A_82, %scan3A_79 : i32
      %dma_start3A_84 = arith.constant 0 : i32
      %dma_start3A_85 = tpu.memref_slice %arg5[%add3A_83, %dma_start3A_84] : memref<3584x64xf32, #tpu.memory_space<vmem_shared>> -> memref<1x64xf32, #tpu.memory_space<vmem_shared>>
      %dma_start3A_86 = arith.constant 0 : i32
      %dma_start3A_87 = tpu.memref_slice %arg1[%get3A_81, %dma_start3A_86] : memref<1000000x64xf32, #tpu.memory_space<hbm>> -> memref<1x64xf32, #tpu.memory_space<hbm>>
      tpu.enqueue_dma source(%dma_start3A_87 : memref<1x64xf32, #tpu.memory_space<hbm>>) target(%dma_start3A_85 : memref<1x64xf32, #tpu.memory_space<vmem_shared>>) target_semaphore(%arg6 : memref<!tpu.dma_semaphore, #tpu.memory_space<semaphore_mem>>)
      %scan3A_88 = arith.constant 3 : i32
      %scan3A_89 = arith.addi %scan3A_61, %scan3A_88 : i32
      %get3A_90 = arith.index_cast %scan3A_89 : i32 to index
      %get3A_91 = memref.load %arg4[%get3A_90] : memref<512xi32, #tpu.memory_space<smem>>
      %add3A_92 = arith.constant 0 : i32
      %add3A_93 = arith.addi %add3A_92, %scan3A_89 : i32
      %dma_start3A_94 = arith.constant 0 : i32
      %dma_start3A_95 = tpu.memref_slice %arg5[%add3A_93, %dma_start3A_94] : memref<3584x64xf32, #tpu.memory_space<vmem_shared>> -> memref<1x64xf32, #tpu.memory_space<vmem_shared>>
      %dma_start3A_96 = arith.constant 0 : i32
      %dma_start3A_97 = tpu.memref_slice %arg1[%get3A_91, %dma_start3A_96] : memref<1000000x64xf32, #tpu.memory_space<hbm>> -> memref<1x64xf32, #tpu.memory_space<hbm>>
      tpu.enqueue_dma source(%dma_start3A_97 : memref<1x64xf32, #tpu.memory_space<hbm>>) target(%dma_start3A_95 : memref<1x64xf32, #tpu.memory_space<vmem_shared>>) target_semaphore(%arg6 : memref<!tpu.dma_semaphore, #tpu.memory_space<semaphore_mem>>)
      %scan3A_98 = arith.constant 4 : i32
      %scan3A_99 = arith.addi %scan3A_61, %scan3A_98 : i32
      %get3A_100 = arith.index_cast %scan3A_99 : i32 to index
      %get3A_101 = memref.load %arg4[%get3A_100] : memref<512xi32, #tpu.memory_space<smem>>
      %add3A_102 = arith.constant 0 : i32
      %add3A_103 = arith.addi %add3A_102, %scan3A_99 : i32
      %dma_start3A_104 = arith.constant 0 : i32
      %dma_start3A_105 = tpu.memref_slice %arg5[%add3A_103, %dma_start3A_104] : memref<3584x64xf32, #tpu.memory_space<vmem_shared>> -> memref<1x64xf32, #tpu.memory_space<vmem_shared>>
      %dma_start3A_106 = arith.constant 0 : i32
      %dma_start3A_107 = tpu.memref_slice %arg1[%get3A_101, %dma_start3A_106] : memref<1000000x64xf32, #tpu.memory_space<hbm>> -> memref<1x64xf32, #tpu.memory_space<hbm>>
      tpu.enqueue_dma source(%dma_start3A_107 : memref<1x64xf32, #tpu.memory_space<hbm>>) target(%dma_start3A_105 : memref<1x64xf32, #tpu.memory_space<vmem_shared>>) target_semaphore(%arg6 : memref<!tpu.dma_semaphore, #tpu.memory_space<semaphore_mem>>)
      %scan3A_108 = arith.constant 5 : i32
      %scan3A_109 = arith.addi %scan3A_61, %scan3A_108 : i32
      %get3A_110 = arith.index_cast %scan3A_109 : i32 to index
      %get3A_111 = memref.load %arg4[%get3A_110] : memref<512xi32, #tpu.memory_space<smem>>
      %add3A_112 = arith.constant 0 : i32
      %add3A_113 = arith.addi %add3A_112, %scan3A_109 : i32
      %dma_start3A_114 = arith.constant 0 : i32
      %dma_start3A_115 = tpu.memref_slice %arg5[%add3A_113, %dma_start3A_114] : memref<3584x64xf32, #tpu.memory_space<vmem_shared>> -> memref<1x64xf32, #tpu.memory_space<vmem_shared>>
      %dma_start3A_116 = arith.constant 0 : i32
      %dma_start3A_117 = tpu.memref_slice %arg1[%get3A_111, %dma_start3A_116] : memref<1000000x64xf32, #tpu.memory_space<hbm>> -> memref<1x64xf32, #tpu.memory_space<hbm>>
      tpu.enqueue_dma source(%dma_start3A_117 : memref<1x64xf32, #tpu.memory_space<hbm>>) target(%dma_start3A_115 : memref<1x64xf32, #tpu.memory_space<vmem_shared>>) target_semaphore(%arg6 : memref<!tpu.dma_semaphore, #tpu.memory_space<semaphore_mem>>)
      %scan3A_118 = arith.constant 6 : i32
      %scan3A_119 = arith.addi %scan3A_61, %scan3A_118 : i32
      %get3A_120 = arith.index_cast %scan3A_119 : i32 to index
      %get3A_121 = memref.load %arg4[%get3A_120] : memref<512xi32, #tpu.memory_space<smem>>
      %add3A_122 = arith.constant 0 : i32
      %add3A_123 = arith.addi %add3A_122, %scan3A_119 : i32
      %dma_start3A_124 = arith.constant 0 : i32
      %dma_start3A_125 = tpu.memref_slice %arg5[%add3A_123, %dma_start3A_124] : memref<3584x64xf32, #tpu.memory_space<vmem_shared>> -> memref<1x64xf32, #tpu.memory_space<vmem_shared>>
      %dma_start3A_126 = arith.constant 0 : i32
      %dma_start3A_127 = tpu.memref_slice %arg1[%get3A_121, %dma_start3A_126] : memref<1000000x64xf32, #tpu.memory_space<hbm>> -> memref<1x64xf32, #tpu.memory_space<hbm>>
      tpu.enqueue_dma source(%dma_start3A_127 : memref<1x64xf32, #tpu.memory_space<hbm>>) target(%dma_start3A_125 : memref<1x64xf32, #tpu.memory_space<vmem_shared>>) target_semaphore(%arg6 : memref<!tpu.dma_semaphore, #tpu.memory_space<semaphore_mem>>)
      %scan3A_128 = arith.constant 7 : i32
      %scan3A_129 = arith.addi %scan3A_61, %scan3A_128 : i32
      %get3A_130 = arith.index_cast %scan3A_129 : i32 to index
      %get3A_131 = memref.load %arg4[%get3A_130] : memref<512xi32, #tpu.memory_space<smem>>
      %add3A_132 = arith.constant 0 : i32
      %add3A_133 = arith.addi %add3A_132, %scan3A_129 : i32
      %dma_start3A_134 = arith.constant 0 : i32
      %dma_start3A_135 = tpu.memref_slice %arg5[%add3A_133, %dma_start3A_134] : memref<3584x64xf32, #tpu.memory_space<vmem_shared>> -> memref<1x64xf32, #tpu.memory_space<vmem_shared>>
      %dma_start3A_136 = arith.constant 0 : i32
      %dma_start3A_137 = tpu.memref_slice %arg1[%get3A_131, %dma_start3A_136] : memref<1000000x64xf32, #tpu.memory_space<hbm>> -> memref<1x64xf32, #tpu.memory_space<hbm>>
      tpu.enqueue_dma source(%dma_start3A_137 : memref<1x64xf32, #tpu.memory_space<hbm>>) target(%dma_start3A_135 : memref<1x64xf32, #tpu.memory_space<vmem_shared>>) target_semaphore(%arg6 : memref<!tpu.dma_semaphore, #tpu.memory_space<semaphore_mem>>)
    }
    %scan3A_6 = arith.constant 512 : i32
    %add3A_7 = arith.constant 512 : i32
    %add3A_8 = arith.addi %mul3A_0, %add3A_7 : i32
    "tpu.region"() ({
      %run_scoped3A = tpu.sem_alloc : memref<!tpu.dma_semaphore, #tpu.memory_space<semaphore_mem>>
      %dma_start3A = tpu.memref_slice %arg2[%add3A_8] : memref<7168xi32, #tpu.memory_space<hbm>> -> memref<512xi32, #tpu.memory_space<hbm>>
      tpu.enqueue_dma source(%dma_start3A : memref<512xi32, #tpu.memory_space<hbm>>) target(%arg4 : memref<512xi32, #tpu.memory_space<smem>>) target_semaphore(%run_scoped3A : memref<!tpu.dma_semaphore, #tpu.memory_space<semaphore_mem>>)
      %dma_wait3A = tpu.memref_slice %arg2[%add3A_8] : memref<7168xi32, #tpu.memory_space<hbm>> -> memref<512xi32, #tpu.memory_space<hbm>>
      tpu.wait_dma2 semaphore(%run_scoped3A : memref<!tpu.dma_semaphore, #tpu.memory_space<semaphore_mem>>) src(%dma_wait3A : memref<512xi32, #tpu.memory_space<hbm>>) dst(%arg4 : memref<512xi32, #tpu.memory_space<smem>>)
      tpu.yield
    }) : () -> ()
    %scan3A_9 = arith.constant 0 : i32
    %scan3A_10 = arith.constant 0 : i32
    %scan3A_11 = arith.constant 512 : i32
    %scan3A_12 = arith.addi %scan3A_10, %scan3A_11 : i32
    %scan3A_13 = arith.constant 8 : i32
    scf.for %scan3A_61 = %scan3A_10 to %scan3A_12 step %scan3A_13  : i32 {
      %get3A = arith.index_cast %scan3A_61 : i32 to index
      %get3A_62 = memref.load %arg4[%get3A] : memref<512xi32, #tpu.memory_space<smem>>
      %add3A_63 = arith.constant 512 : i32
      %add3A_64 = arith.addi %add3A_63, %scan3A_61 : i32
      %dma_start3A = arith.constant 0 : i32
      %dma_start3A_65 = tpu.memref_slice %arg5[%add3A_64, %dma_start3A] : memref<3584x64xf32, #tpu.memory_space<vmem_shared>> -> memref<1x64xf32, #tpu.memory_space<vmem_shared>>
      %dma_start3A_66 = arith.constant 0 : i32
      %dma_start3A_67 = tpu.memref_slice %arg1[%get3A_62, %dma_start3A_66] : memref<1000000x64xf32, #tpu.memory_space<hbm>> -> memref<1x64xf32, #tpu.memory_space<hbm>>
      tpu.enqueue_dma source(%dma_start3A_67 : memref<1x64xf32, #tpu.memory_space<hbm>>) target(%dma_start3A_65 : memref<1x64xf32, #tpu.memory_space<vmem_shared>>) target_semaphore(%arg6 : memref<!tpu.dma_semaphore, #tpu.memory_space<semaphore_mem>>)
      %scan3A_68 = arith.constant 1 : i32
      %scan3A_69 = arith.addi %scan3A_61, %scan3A_68 : i32
      %get3A_70 = arith.index_cast %scan3A_69 : i32 to index
      %get3A_71 = memref.load %arg4[%get3A_70] : memref<512xi32, #tpu.memory_space<smem>>
      %add3A_72 = arith.constant 512 : i32
      %add3A_73 = arith.addi %add3A_72, %scan3A_69 : i32
      %dma_start3A_74 = arith.constant 0 : i32
      %dma_start3A_75 = tpu.memref_slice %arg5[%add3A_73, %dma_start3A_74] : memref<3584x64xf32, #tpu.memory_space<vmem_shared>> -> memref<1x64xf32, #tpu.memory_space<vmem_shared>>
      %dma_start3A_76 = arith.constant 0 : i32
      %dma_start3A_77 = tpu.memref_slice %arg1[%get3A_71, %dma_start3A_76] : memref<1000000x64xf32, #tpu.memory_space<hbm>> -> memref<1x64xf32, #tpu.memory_space<hbm>>
      tpu.enqueue_dma source(%dma_start3A_77 : memref<1x64xf32, #tpu.memory_space<hbm>>) target(%dma_start3A_75 : memref<1x64xf32, #tpu.memory_space<vmem_shared>>) target_semaphore(%arg6 : memref<!tpu.dma_semaphore, #tpu.memory_space<semaphore_mem>>)
      %scan3A_78 = arith.constant 2 : i32
      %scan3A_79 = arith.addi %scan3A_61, %scan3A_78 : i32
      %get3A_80 = arith.index_cast %scan3A_79 : i32 to index
      %get3A_81 = memref.load %arg4[%get3A_80] : memref<512xi32, #tpu.memory_space<smem>>
      %add3A_82 = arith.constant 512 : i32
      %add3A_83 = arith.addi %add3A_82, %scan3A_79 : i32
      %dma_start3A_84 = arith.constant 0 : i32
      %dma_start3A_85 = tpu.memref_slice %arg5[%add3A_83, %dma_start3A_84] : memref<3584x64xf32, #tpu.memory_space<vmem_shared>> -> memref<1x64xf32, #tpu.memory_space<vmem_shared>>
      %dma_start3A_86 = arith.constant 0 : i32
      %dma_start3A_87 = tpu.memref_slice %arg1[%get3A_81, %dma_start3A_86] : memref<1000000x64xf32, #tpu.memory_space<hbm>> -> memref<1x64xf32, #tpu.memory_space<hbm>>
      tpu.enqueue_dma source(%dma_start3A_87 : memref<1x64xf32, #tpu.memory_space<hbm>>) target(%dma_start3A_85 : memref<1x64xf32, #tpu.memory_space<vmem_shared>>) target_semaphore(%arg6 : memref<!tpu.dma_semaphore, #tpu.memory_space<semaphore_mem>>)
      %scan3A_88 = arith.constant 3 : i32
      %scan3A_89 = arith.addi %scan3A_61, %scan3A_88 : i32
      %get3A_90 = arith.index_cast %scan3A_89 : i32 to index
      %get3A_91 = memref.load %arg4[%get3A_90] : memref<512xi32, #tpu.memory_space<smem>>
      %add3A_92 = arith.constant 512 : i32
      %add3A_93 = arith.addi %add3A_92, %scan3A_89 : i32
      %dma_start3A_94 = arith.constant 0 : i32
      %dma_start3A_95 = tpu.memref_slice %arg5[%add3A_93, %dma_start3A_94] : memref<3584x64xf32, #tpu.memory_space<vmem_shared>> -> memref<1x64xf32, #tpu.memory_space<vmem_shared>>
      %dma_start3A_96 = arith.constant 0 : i32
      %dma_start3A_97 = tpu.memref_slice %arg1[%get3A_91, %dma_start3A_96] : memref<1000000x64xf32, #tpu.memory_space<hbm>> -> memref<1x64xf32, #tpu.memory_space<hbm>>
      tpu.enqueue_dma source(%dma_start3A_97 : memref<1x64xf32, #tpu.memory_space<hbm>>) target(%dma_start3A_95 : memref<1x64xf32, #tpu.memory_space<vmem_shared>>) target_semaphore(%arg6 : memref<!tpu.dma_semaphore, #tpu.memory_space<semaphore_mem>>)
      %scan3A_98 = arith.constant 4 : i32
      %scan3A_99 = arith.addi %scan3A_61, %scan3A_98 : i32
      %get3A_100 = arith.index_cast %scan3A_99 : i32 to index
      %get3A_101 = memref.load %arg4[%get3A_100] : memref<512xi32, #tpu.memory_space<smem>>
      %add3A_102 = arith.constant 512 : i32
      %add3A_103 = arith.addi %add3A_102, %scan3A_99 : i32
      %dma_start3A_104 = arith.constant 0 : i32
      %dma_start3A_105 = tpu.memref_slice %arg5[%add3A_103, %dma_start3A_104] : memref<3584x64xf32, #tpu.memory_space<vmem_shared>> -> memref<1x64xf32, #tpu.memory_space<vmem_shared>>
      %dma_start3A_106 = arith.constant 0 : i32
      %dma_start3A_107 = tpu.memref_slice %arg1[%get3A_101, %dma_start3A_106] : memref<1000000x64xf32, #tpu.memory_space<hbm>> -> memref<1x64xf32, #tpu.memory_space<hbm>>
      tpu.enqueue_dma source(%dma_start3A_107 : memref<1x64xf32, #tpu.memory_space<hbm>>) target(%dma_start3A_105 : memref<1x64xf32, #tpu.memory_space<vmem_shared>>) target_semaphore(%arg6 : memref<!tpu.dma_semaphore, #tpu.memory_space<semaphore_mem>>)
      %scan3A_108 = arith.constant 5 : i32
      %scan3A_109 = arith.addi %scan3A_61, %scan3A_108 : i32
      %get3A_110 = arith.index_cast %scan3A_109 : i32 to index
      %get3A_111 = memref.load %arg4[%get3A_110] : memref<512xi32, #tpu.memory_space<smem>>
      %add3A_112 = arith.constant 512 : i32
      %add3A_113 = arith.addi %add3A_112, %scan3A_109 : i32
      %dma_start3A_114 = arith.constant 0 : i32
      %dma_start3A_115 = tpu.memref_slice %arg5[%add3A_113, %dma_start3A_114] : memref<3584x64xf32, #tpu.memory_space<vmem_shared>> -> memref<1x64xf32, #tpu.memory_space<vmem_shared>>
      %dma_start3A_116 = arith.constant 0 : i32
      %dma_start3A_117 = tpu.memref_slice %arg1[%get3A_111, %dma_start3A_116] : memref<1000000x64xf32, #tpu.memory_space<hbm>> -> memref<1x64xf32, #tpu.memory_space<hbm>>
      tpu.enqueue_dma source(%dma_start3A_117 : memref<1x64xf32, #tpu.memory_space<hbm>>) target(%dma_start3A_115 : memref<1x64xf32, #tpu.memory_space<vmem_shared>>) target_semaphore(%arg6 : memref<!tpu.dma_semaphore, #tpu.memory_space<semaphore_mem>>)
      %scan3A_118 = arith.constant 6 : i32
      %scan3A_119 = arith.addi %scan3A_61, %scan3A_118 : i32
      %get3A_120 = arith.index_cast %scan3A_119 : i32 to index
      %get3A_121 = memref.load %arg4[%get3A_120] : memref<512xi32, #tpu.memory_space<smem>>
      %add3A_122 = arith.constant 512 : i32
      %add3A_123 = arith.addi %add3A_122, %scan3A_119 : i32
      %dma_start3A_124 = arith.constant 0 : i32
      %dma_start3A_125 = tpu.memref_slice %arg5[%add3A_123, %dma_start3A_124] : memref<3584x64xf32, #tpu.memory_space<vmem_shared>> -> memref<1x64xf32, #tpu.memory_space<vmem_shared>>
      %dma_start3A_126 = arith.constant 0 : i32
      %dma_start3A_127 = tpu.memref_slice %arg1[%get3A_121, %dma_start3A_126] : memref<1000000x64xf32, #tpu.memory_space<hbm>> -> memref<1x64xf32, #tpu.memory_space<hbm>>
      tpu.enqueue_dma source(%dma_start3A_127 : memref<1x64xf32, #tpu.memory_space<hbm>>) target(%dma_start3A_125 : memref<1x64xf32, #tpu.memory_space<vmem_shared>>) target_semaphore(%arg6 : memref<!tpu.dma_semaphore, #tpu.memory_space<semaphore_mem>>)
      %scan3A_128 = arith.constant 7 : i32
      %scan3A_129 = arith.addi %scan3A_61, %scan3A_128 : i32
      %get3A_130 = arith.index_cast %scan3A_129 : i32 to index
      %get3A_131 = memref.load %arg4[%get3A_130] : memref<512xi32, #tpu.memory_space<smem>>
      %add3A_132 = arith.constant 512 : i32
      %add3A_133 = arith.addi %add3A_132, %scan3A_129 : i32
      %dma_start3A_134 = arith.constant 0 : i32
      %dma_start3A_135 = tpu.memref_slice %arg5[%add3A_133, %dma_start3A_134] : memref<3584x64xf32, #tpu.memory_space<vmem_shared>> -> memref<1x64xf32, #tpu.memory_space<vmem_shared>>
      %dma_start3A_136 = arith.constant 0 : i32
      %dma_start3A_137 = tpu.memref_slice %arg1[%get3A_131, %dma_start3A_136] : memref<1000000x64xf32, #tpu.memory_space<hbm>> -> memref<1x64xf32, #tpu.memory_space<hbm>>
      tpu.enqueue_dma source(%dma_start3A_137 : memref<1x64xf32, #tpu.memory_space<hbm>>) target(%dma_start3A_135 : memref<1x64xf32, #tpu.memory_space<vmem_shared>>) target_semaphore(%arg6 : memref<!tpu.dma_semaphore, #tpu.memory_space<semaphore_mem>>)
    }
    %scan3A_14 = arith.constant 512 : i32
    %add3A_15 = arith.constant 1024 : i32
    %add3A_16 = arith.addi %mul3A_0, %add3A_15 : i32
    "tpu.region"() ({
      %run_scoped3A = tpu.sem_alloc : memref<!tpu.dma_semaphore, #tpu.memory_space<semaphore_mem>>
      %dma_start3A = tpu.memref_slice %arg2[%add3A_16] : memref<7168xi32, #tpu.memory_space<hbm>> -> memref<512xi32, #tpu.memory_space<hbm>>
      tpu.enqueue_dma source(%dma_start3A : memref<512xi32, #tpu.memory_space<hbm>>) target(%arg4 : memref<512xi32, #tpu.memory_space<smem>>) target_semaphore(%run_scoped3A : memref<!tpu.dma_semaphore, #tpu.memory_space<semaphore_mem>>)
      %dma_wait3A = tpu.memref_slice %arg2[%add3A_16] : memref<7168xi32, #tpu.memory_space<hbm>> -> memref<512xi32, #tpu.memory_space<hbm>>
      tpu.wait_dma2 semaphore(%run_scoped3A : memref<!tpu.dma_semaphore, #tpu.memory_space<semaphore_mem>>) src(%dma_wait3A : memref<512xi32, #tpu.memory_space<hbm>>) dst(%arg4 : memref<512xi32, #tpu.memory_space<smem>>)
      tpu.yield
    }) : () -> ()
    %scan3A_17 = arith.constant 0 : i32
    %scan3A_18 = arith.constant 0 : i32
    %scan3A_19 = arith.constant 512 : i32
    %scan3A_20 = arith.addi %scan3A_18, %scan3A_19 : i32
    %scan3A_21 = arith.constant 8 : i32
    scf.for %scan3A_61 = %scan3A_18 to %scan3A_20 step %scan3A_21  : i32 {
      %get3A = arith.index_cast %scan3A_61 : i32 to index
      %get3A_62 = memref.load %arg4[%get3A] : memref<512xi32, #tpu.memory_space<smem>>
      %add3A_63 = arith.constant 1024 : i32
      %add3A_64 = arith.addi %add3A_63, %scan3A_61 : i32
      %dma_start3A = arith.constant 0 : i32
      %dma_start3A_65 = tpu.memref_slice %arg5[%add3A_64, %dma_start3A] : memref<3584x64xf32, #tpu.memory_space<vmem_shared>> -> memref<1x64xf32, #tpu.memory_space<vmem_shared>>
      %dma_start3A_66 = arith.constant 0 : i32
      %dma_start3A_67 = tpu.memref_slice %arg1[%get3A_62, %dma_start3A_66] : memref<1000000x64xf32, #tpu.memory_space<hbm>> -> memref<1x64xf32, #tpu.memory_space<hbm>>
      tpu.enqueue_dma source(%dma_start3A_67 : memref<1x64xf32, #tpu.memory_space<hbm>>) target(%dma_start3A_65 : memref<1x64xf32, #tpu.memory_space<vmem_shared>>) target_semaphore(%arg6 : memref<!tpu.dma_semaphore, #tpu.memory_space<semaphore_mem>>)
      %scan3A_68 = arith.constant 1 : i32
      %scan3A_69 = arith.addi %scan3A_61, %scan3A_68 : i32
      %get3A_70 = arith.index_cast %scan3A_69 : i32 to index
      %get3A_71 = memref.load %arg4[%get3A_70] : memref<512xi32, #tpu.memory_space<smem>>
      %add3A_72 = arith.constant 1024 : i32
      %add3A_73 = arith.addi %add3A_72, %scan3A_69 : i32
      %dma_start3A_74 = arith.constant 0 : i32
      %dma_start3A_75 = tpu.memref_slice %arg5[%add3A_73, %dma_start3A_74] : memref<3584x64xf32, #tpu.memory_space<vmem_shared>> -> memref<1x64xf32, #tpu.memory_space<vmem_shared>>
      %dma_start3A_76 = arith.constant 0 : i32
      %dma_start3A_77 = tpu.memref_slice %arg1[%get3A_71, %dma_start3A_76] : memref<1000000x64xf32, #tpu.memory_space<hbm>> -> memref<1x64xf32, #tpu.memory_space<hbm>>
      tpu.enqueue_dma source(%dma_start3A_77 : memref<1x64xf32, #tpu.memory_space<hbm>>) target(%dma_start3A_75 : memref<1x64xf32, #tpu.memory_space<vmem_shared>>) target_semaphore(%arg6 : memref<!tpu.dma_semaphore, #tpu.memory_space<semaphore_mem>>)
      %scan3A_78 = arith.constant 2 : i32
      %scan3A_79 = arith.addi %scan3A_61, %scan3A_78 : i32
      %get3A_80 = arith.index_cast %scan3A_79 : i32 to index
      %get3A_81 = memref.load %arg4[%get3A_80] : memref<512xi32, #tpu.memory_space<smem>>
      %add3A_82 = arith.constant 1024 : i32
      %add3A_83 = arith.addi %add3A_82, %scan3A_79 : i32
      %dma_start3A_84 = arith.constant 0 : i32
      %dma_start3A_85 = tpu.memref_slice %arg5[%add3A_83, %dma_start3A_84] : memref<3584x64xf32, #tpu.memory_space<vmem_shared>> -> memref<1x64xf32, #tpu.memory_space<vmem_shared>>
      %dma_start3A_86 = arith.constant 0 : i32
      %dma_start3A_87 = tpu.memref_slice %arg1[%get3A_81, %dma_start3A_86] : memref<1000000x64xf32, #tpu.memory_space<hbm>> -> memref<1x64xf32, #tpu.memory_space<hbm>>
      tpu.enqueue_dma source(%dma_start3A_87 : memref<1x64xf32, #tpu.memory_space<hbm>>) target(%dma_start3A_85 : memref<1x64xf32, #tpu.memory_space<vmem_shared>>) target_semaphore(%arg6 : memref<!tpu.dma_semaphore, #tpu.memory_space<semaphore_mem>>)
      %scan3A_88 = arith.constant 3 : i32
      %scan3A_89 = arith.addi %scan3A_61, %scan3A_88 : i32
      %get3A_90 = arith.index_cast %scan3A_89 : i32 to index
      %get3A_91 = memref.load %arg4[%get3A_90] : memref<512xi32, #tpu.memory_space<smem>>
      %add3A_92 = arith.constant 1024 : i32
      %add3A_93 = arith.addi %add3A_92, %scan3A_89 : i32
      %dma_start3A_94 = arith.constant 0 : i32
      %dma_start3A_95 = tpu.memref_slice %arg5[%add3A_93, %dma_start3A_94] : memref<3584x64xf32, #tpu.memory_space<vmem_shared>> -> memref<1x64xf32, #tpu.memory_space<vmem_shared>>
      %dma_start3A_96 = arith.constant 0 : i32
      %dma_start3A_97 = tpu.memref_slice %arg1[%get3A_91, %dma_start3A_96] : memref<1000000x64xf32, #tpu.memory_space<hbm>> -> memref<1x64xf32, #tpu.memory_space<hbm>>
      tpu.enqueue_dma source(%dma_start3A_97 : memref<1x64xf32, #tpu.memory_space<hbm>>) target(%dma_start3A_95 : memref<1x64xf32, #tpu.memory_space<vmem_shared>>) target_semaphore(%arg6 : memref<!tpu.dma_semaphore, #tpu.memory_space<semaphore_mem>>)
      %scan3A_98 = arith.constant 4 : i32
      %scan3A_99 = arith.addi %scan3A_61, %scan3A_98 : i32
      %get3A_100 = arith.index_cast %scan3A_99 : i32 to index
      %get3A_101 = memref.load %arg4[%get3A_100] : memref<512xi32, #tpu.memory_space<smem>>
      %add3A_102 = arith.constant 1024 : i32
      %add3A_103 = arith.addi %add3A_102, %scan3A_99 : i32
      %dma_start3A_104 = arith.constant 0 : i32
      %dma_start3A_105 = tpu.memref_slice %arg5[%add3A_103, %dma_start3A_104] : memref<3584x64xf32, #tpu.memory_space<vmem_shared>> -> memref<1x64xf32, #tpu.memory_space<vmem_shared>>
      %dma_start3A_106 = arith.constant 0 : i32
      %dma_start3A_107 = tpu.memref_slice %arg1[%get3A_101, %dma_start3A_106] : memref<1000000x64xf32, #tpu.memory_space<hbm>> -> memref<1x64xf32, #tpu.memory_space<hbm>>
      tpu.enqueue_dma source(%dma_start3A_107 : memref<1x64xf32, #tpu.memory_space<hbm>>) target(%dma_start3A_105 : memref<1x64xf32, #tpu.memory_space<vmem_shared>>) target_semaphore(%arg6 : memref<!tpu.dma_semaphore, #tpu.memory_space<semaphore_mem>>)
      %scan3A_108 = arith.constant 5 : i32
      %scan3A_109 = arith.addi %scan3A_61, %scan3A_108 : i32
      %get3A_110 = arith.index_cast %scan3A_109 : i32 to index
      %get3A_111 = memref.load %arg4[%get3A_110] : memref<512xi32, #tpu.memory_space<smem>>
      %add3A_112 = arith.constant 1024 : i32
      %add3A_113 = arith.addi %add3A_112, %scan3A_109 : i32
      %dma_start3A_114 = arith.constant 0 : i32
      %dma_start3A_115 = tpu.memref_slice %arg5[%add3A_113, %dma_start3A_114] : memref<3584x64xf32, #tpu.memory_space<vmem_shared>> -> memref<1x64xf32, #tpu.memory_space<vmem_shared>>
      %dma_start3A_116 = arith.constant 0 : i32
      %dma_start3A_117 = tpu.memref_slice %arg1[%get3A_111, %dma_start3A_116] : memref<1000000x64xf32, #tpu.memory_space<hbm>> -> memref<1x64xf32, #tpu.memory_space<hbm>>
      tpu.enqueue_dma source(%dma_start3A_117 : memref<1x64xf32, #tpu.memory_space<hbm>>) target(%dma_start3A_115 : memref<1x64xf32, #tpu.memory_space<vmem_shared>>) target_semaphore(%arg6 : memref<!tpu.dma_semaphore, #tpu.memory_space<semaphore_mem>>)
      %scan3A_118 = arith.constant 6 : i32
      %scan3A_119 = arith.addi %scan3A_61, %scan3A_118 : i32
      %get3A_120 = arith.index_cast %scan3A_119 : i32 to index
      %get3A_121 = memref.load %arg4[%get3A_120] : memref<512xi32, #tpu.memory_space<smem>>
      %add3A_122 = arith.constant 1024 : i32
      %add3A_123 = arith.addi %add3A_122, %scan3A_119 : i32
      %dma_start3A_124 = arith.constant 0 : i32
      %dma_start3A_125 = tpu.memref_slice %arg5[%add3A_123, %dma_start3A_124] : memref<3584x64xf32, #tpu.memory_space<vmem_shared>> -> memref<1x64xf32, #tpu.memory_space<vmem_shared>>
      %dma_start3A_126 = arith.constant 0 : i32
      %dma_start3A_127 = tpu.memref_slice %arg1[%get3A_121, %dma_start3A_126] : memref<1000000x64xf32, #tpu.memory_space<hbm>> -> memref<1x64xf32, #tpu.memory_space<hbm>>
      tpu.enqueue_dma source(%dma_start3A_127 : memref<1x64xf32, #tpu.memory_space<hbm>>) target(%dma_start3A_125 : memref<1x64xf32, #tpu.memory_space<vmem_shared>>) target_semaphore(%arg6 : memref<!tpu.dma_semaphore, #tpu.memory_space<semaphore_mem>>)
      %scan3A_128 = arith.constant 7 : i32
      %scan3A_129 = arith.addi %scan3A_61, %scan3A_128 : i32
      %get3A_130 = arith.index_cast %scan3A_129 : i32 to index
      %get3A_131 = memref.load %arg4[%get3A_130] : memref<512xi32, #tpu.memory_space<smem>>
      %add3A_132 = arith.constant 1024 : i32
      %add3A_133 = arith.addi %add3A_132, %scan3A_129 : i32
      %dma_start3A_134 = arith.constant 0 : i32
      %dma_start3A_135 = tpu.memref_slice %arg5[%add3A_133, %dma_start3A_134] : memref<3584x64xf32, #tpu.memory_space<vmem_shared>> -> memref<1x64xf32, #tpu.memory_space<vmem_shared>>
      %dma_start3A_136 = arith.constant 0 : i32
      %dma_start3A_137 = tpu.memref_slice %arg1[%get3A_131, %dma_start3A_136] : memref<1000000x64xf32, #tpu.memory_space<hbm>> -> memref<1x64xf32, #tpu.memory_space<hbm>>
      tpu.enqueue_dma source(%dma_start3A_137 : memref<1x64xf32, #tpu.memory_space<hbm>>) target(%dma_start3A_135 : memref<1x64xf32, #tpu.memory_space<vmem_shared>>) target_semaphore(%arg6 : memref<!tpu.dma_semaphore, #tpu.memory_space<semaphore_mem>>)
    }
    %scan3A_22 = arith.constant 512 : i32
    %add3A_23 = arith.constant 1536 : i32
    %add3A_24 = arith.addi %mul3A_0, %add3A_23 : i32
    "tpu.region"() ({
      %run_scoped3A = tpu.sem_alloc : memref<!tpu.dma_semaphore, #tpu.memory_space<semaphore_mem>>
      %dma_start3A = tpu.memref_slice %arg2[%add3A_24] : memref<7168xi32, #tpu.memory_space<hbm>> -> memref<512xi32, #tpu.memory_space<hbm>>
      tpu.enqueue_dma source(%dma_start3A : memref<512xi32, #tpu.memory_space<hbm>>) target(%arg4 : memref<512xi32, #tpu.memory_space<smem>>) target_semaphore(%run_scoped3A : memref<!tpu.dma_semaphore, #tpu.memory_space<semaphore_mem>>)
      %dma_wait3A = tpu.memref_slice %arg2[%add3A_24] : memref<7168xi32, #tpu.memory_space<hbm>> -> memref<512xi32, #tpu.memory_space<hbm>>
      tpu.wait_dma2 semaphore(%run_scoped3A : memref<!tpu.dma_semaphore, #tpu.memory_space<semaphore_mem>>) src(%dma_wait3A : memref<512xi32, #tpu.memory_space<hbm>>) dst(%arg4 : memref<512xi32, #tpu.memory_space<smem>>)
      tpu.yield
    }) : () -> ()
    %scan3A_25 = arith.constant 0 : i32
    %scan3A_26 = arith.constant 0 : i32
    %scan3A_27 = arith.constant 512 : i32
    %scan3A_28 = arith.addi %scan3A_26, %scan3A_27 : i32
    %scan3A_29 = arith.constant 8 : i32
    scf.for %scan3A_61 = %scan3A_26 to %scan3A_28 step %scan3A_29  : i32 {
      %get3A = arith.index_cast %scan3A_61 : i32 to index
      %get3A_62 = memref.load %arg4[%get3A] : memref<512xi32, #tpu.memory_space<smem>>
      %add3A_63 = arith.constant 1536 : i32
      %add3A_64 = arith.addi %add3A_63, %scan3A_61 : i32
      %dma_start3A = arith.constant 0 : i32
      %dma_start3A_65 = tpu.memref_slice %arg5[%add3A_64, %dma_start3A] : memref<3584x64xf32, #tpu.memory_space<vmem_shared>> -> memref<1x64xf32, #tpu.memory_space<vmem_shared>>
      %dma_start3A_66 = arith.constant 0 : i32
      %dma_start3A_67 = tpu.memref_slice %arg1[%get3A_62, %dma_start3A_66] : memref<1000000x64xf32, #tpu.memory_space<hbm>> -> memref<1x64xf32, #tpu.memory_space<hbm>>
      tpu.enqueue_dma source(%dma_start3A_67 : memref<1x64xf32, #tpu.memory_space<hbm>>) target(%dma_start3A_65 : memref<1x64xf32, #tpu.memory_space<vmem_shared>>) target_semaphore(%arg6 : memref<!tpu.dma_semaphore, #tpu.memory_space<semaphore_mem>>)
      %scan3A_68 = arith.constant 1 : i32
      %scan3A_69 = arith.addi %scan3A_61, %scan3A_68 : i32
      %get3A_70 = arith.index_cast %scan3A_69 : i32 to index
      %get3A_71 = memref.load %arg4[%get3A_70] : memref<512xi32, #tpu.memory_space<smem>>
      %add3A_72 = arith.constant 1536 : i32
      %add3A_73 = arith.addi %add3A_72, %scan3A_69 : i32
      %dma_start3A_74 = arith.constant 0 : i32
      %dma_start3A_75 = tpu.memref_slice %arg5[%add3A_73, %dma_start3A_74] : memref<3584x64xf32, #tpu.memory_space<vmem_shared>> -> memref<1x64xf32, #tpu.memory_space<vmem_shared>>
      %dma_start3A_76 = arith.constant 0 : i32
      %dma_start3A_77 = tpu.memref_slice %arg1[%get3A_71, %dma_start3A_76] : memref<1000000x64xf32, #tpu.memory_space<hbm>> -> memref<1x64xf32, #tpu.memory_space<hbm>>
      tpu.enqueue_dma source(%dma_start3A_77 : memref<1x64xf32, #tpu.memory_space<hbm>>) target(%dma_start3A_75 : memref<1x64xf32, #tpu.memory_space<vmem_shared>>) target_semaphore(%arg6 : memref<!tpu.dma_semaphore, #tpu.memory_space<semaphore_mem>>)
      %scan3A_78 = arith.constant 2 : i32
      %scan3A_79 = arith.addi %scan3A_61, %scan3A_78 : i32
      %get3A_80 = arith.index_cast %scan3A_79 : i32 to index
      %get3A_81 = memref.load %arg4[%get3A_80] : memref<512xi32, #tpu.memory_space<smem>>
      %add3A_82 = arith.constant 1536 : i32
      %add3A_83 = arith.addi %add3A_82, %scan3A_79 : i32
      %dma_start3A_84 = arith.constant 0 : i32
      %dma_start3A_85 = tpu.memref_slice %arg5[%add3A_83, %dma_start3A_84] : memref<3584x64xf32, #tpu.memory_space<vmem_shared>> -> memref<1x64xf32, #tpu.memory_space<vmem_shared>>
      %dma_start3A_86 = arith.constant 0 : i32
      %dma_start3A_87 = tpu.memref_slice %arg1[%get3A_81, %dma_start3A_86] : memref<1000000x64xf32, #tpu.memory_space<hbm>> -> memref<1x64xf32, #tpu.memory_space<hbm>>
      tpu.enqueue_dma source(%dma_start3A_87 : memref<1x64xf32, #tpu.memory_space<hbm>>) target(%dma_start3A_85 : memref<1x64xf32, #tpu.memory_space<vmem_shared>>) target_semaphore(%arg6 : memref<!tpu.dma_semaphore, #tpu.memory_space<semaphore_mem>>)
      %scan3A_88 = arith.constant 3 : i32
      %scan3A_89 = arith.addi %scan3A_61, %scan3A_88 : i32
      %get3A_90 = arith.index_cast %scan3A_89 : i32 to index
      %get3A_91 = memref.load %arg4[%get3A_90] : memref<512xi32, #tpu.memory_space<smem>>
      %add3A_92 = arith.constant 1536 : i32
      %add3A_93 = arith.addi %add3A_92, %scan3A_89 : i32
      %dma_start3A_94 = arith.constant 0 : i32
      %dma_start3A_95 = tpu.memref_slice %arg5[%add3A_93, %dma_start3A_94] : memref<3584x64xf32, #tpu.memory_space<vmem_shared>> -> memref<1x64xf32, #tpu.memory_space<vmem_shared>>
      %dma_start3A_96 = arith.constant 0 : i32
      %dma_start3A_97 = tpu.memref_slice %arg1[%get3A_91, %dma_start3A_96] : memref<1000000x64xf32, #tpu.memory_space<hbm>> -> memref<1x64xf32, #tpu.memory_space<hbm>>
      tpu.enqueue_dma source(%dma_start3A_97 : memref<1x64xf32, #tpu.memory_space<hbm>>) target(%dma_start3A_95 : memref<1x64xf32, #tpu.memory_space<vmem_shared>>) target_semaphore(%arg6 : memref<!tpu.dma_semaphore, #tpu.memory_space<semaphore_mem>>)
      %scan3A_98 = arith.constant 4 : i32
      %scan3A_99 = arith.addi %scan3A_61, %scan3A_98 : i32
      %get3A_100 = arith.index_cast %scan3A_99 : i32 to index
      %get3A_101 = memref.load %arg4[%get3A_100] : memref<512xi32, #tpu.memory_space<smem>>
      %add3A_102 = arith.constant 1536 : i32
      %add3A_103 = arith.addi %add3A_102, %scan3A_99 : i32
      %dma_start3A_104 = arith.constant 0 : i32
      %dma_start3A_105 = tpu.memref_slice %arg5[%add3A_103, %dma_start3A_104] : memref<3584x64xf32, #tpu.memory_space<vmem_shared>> -> memref<1x64xf32, #tpu.memory_space<vmem_shared>>
      %dma_start3A_106 = arith.constant 0 : i32
      %dma_start3A_107 = tpu.memref_slice %arg1[%get3A_101, %dma_start3A_106] : memref<1000000x64xf32, #tpu.memory_space<hbm>> -> memref<1x64xf32, #tpu.memory_space<hbm>>
      tpu.enqueue_dma source(%dma_start3A_107 : memref<1x64xf32, #tpu.memory_space<hbm>>) target(%dma_start3A_105 : memref<1x64xf32, #tpu.memory_space<vmem_shared>>) target_semaphore(%arg6 : memref<!tpu.dma_semaphore, #tpu.memory_space<semaphore_mem>>)
      %scan3A_108 = arith.constant 5 : i32
      %scan3A_109 = arith.addi %scan3A_61, %scan3A_108 : i32
      %get3A_110 = arith.index_cast %scan3A_109 : i32 to index
      %get3A_111 = memref.load %arg4[%get3A_110] : memref<512xi32, #tpu.memory_space<smem>>
      %add3A_112 = arith.constant 1536 : i32
      %add3A_113 = arith.addi %add3A_112, %scan3A_109 : i32
      %dma_start3A_114 = arith.constant 0 : i32
      %dma_start3A_115 = tpu.memref_slice %arg5[%add3A_113, %dma_start3A_114] : memref<3584x64xf32, #tpu.memory_space<vmem_shared>> -> memref<1x64xf32, #tpu.memory_space<vmem_shared>>
      %dma_start3A_116 = arith.constant 0 : i32
      %dma_start3A_117 = tpu.memref_slice %arg1[%get3A_111, %dma_start3A_116] : memref<1000000x64xf32, #tpu.memory_space<hbm>> -> memref<1x64xf32, #tpu.memory_space<hbm>>
      tpu.enqueue_dma source(%dma_start3A_117 : memref<1x64xf32, #tpu.memory_space<hbm>>) target(%dma_start3A_115 : memref<1x64xf32, #tpu.memory_space<vmem_shared>>) target_semaphore(%arg6 : memref<!tpu.dma_semaphore, #tpu.memory_space<semaphore_mem>>)
      %scan3A_118 = arith.constant 6 : i32
      %scan3A_119 = arith.addi %scan3A_61, %scan3A_118 : i32
      %get3A_120 = arith.index_cast %scan3A_119 : i32 to index
      %get3A_121 = memref.load %arg4[%get3A_120] : memref<512xi32, #tpu.memory_space<smem>>
      %add3A_122 = arith.constant 1536 : i32
      %add3A_123 = arith.addi %add3A_122, %scan3A_119 : i32
      %dma_start3A_124 = arith.constant 0 : i32
      %dma_start3A_125 = tpu.memref_slice %arg5[%add3A_123, %dma_start3A_124] : memref<3584x64xf32, #tpu.memory_space<vmem_shared>> -> memref<1x64xf32, #tpu.memory_space<vmem_shared>>
      %dma_start3A_126 = arith.constant 0 : i32
      %dma_start3A_127 = tpu.memref_slice %arg1[%get3A_121, %dma_start3A_126] : memref<1000000x64xf32, #tpu.memory_space<hbm>> -> memref<1x64xf32, #tpu.memory_space<hbm>>
      tpu.enqueue_dma source(%dma_start3A_127 : memref<1x64xf32, #tpu.memory_space<hbm>>) target(%dma_start3A_125 : memref<1x64xf32, #tpu.memory_space<vmem_shared>>) target_semaphore(%arg6 : memref<!tpu.dma_semaphore, #tpu.memory_space<semaphore_mem>>)
      %scan3A_128 = arith.constant 7 : i32
      %scan3A_129 = arith.addi %scan3A_61, %scan3A_128 : i32
      %get3A_130 = arith.index_cast %scan3A_129 : i32 to index
      %get3A_131 = memref.load %arg4[%get3A_130] : memref<512xi32, #tpu.memory_space<smem>>
      %add3A_132 = arith.constant 1536 : i32
      %add3A_133 = arith.addi %add3A_132, %scan3A_129 : i32
      %dma_start3A_134 = arith.constant 0 : i32
      %dma_start3A_135 = tpu.memref_slice %arg5[%add3A_133, %dma_start3A_134] : memref<3584x64xf32, #tpu.memory_space<vmem_shared>> -> memref<1x64xf32, #tpu.memory_space<vmem_shared>>
      %dma_start3A_136 = arith.constant 0 : i32
      %dma_start3A_137 = tpu.memref_slice %arg1[%get3A_131, %dma_start3A_136] : memref<1000000x64xf32, #tpu.memory_space<hbm>> -> memref<1x64xf32, #tpu.memory_space<hbm>>
      tpu.enqueue_dma source(%dma_start3A_137 : memref<1x64xf32, #tpu.memory_space<hbm>>) target(%dma_start3A_135 : memref<1x64xf32, #tpu.memory_space<vmem_shared>>) target_semaphore(%arg6 : memref<!tpu.dma_semaphore, #tpu.memory_space<semaphore_mem>>)
    }
    %scan3A_30 = arith.constant 512 : i32
    %add3A_31 = arith.constant 2048 : i32
    %add3A_32 = arith.addi %mul3A_0, %add3A_31 : i32
    "tpu.region"() ({
      %run_scoped3A = tpu.sem_alloc : memref<!tpu.dma_semaphore, #tpu.memory_space<semaphore_mem>>
      %dma_start3A = tpu.memref_slice %arg2[%add3A_32] : memref<7168xi32, #tpu.memory_space<hbm>> -> memref<512xi32, #tpu.memory_space<hbm>>
      tpu.enqueue_dma source(%dma_start3A : memref<512xi32, #tpu.memory_space<hbm>>) target(%arg4 : memref<512xi32, #tpu.memory_space<smem>>) target_semaphore(%run_scoped3A : memref<!tpu.dma_semaphore, #tpu.memory_space<semaphore_mem>>)
      %dma_wait3A = tpu.memref_slice %arg2[%add3A_32] : memref<7168xi32, #tpu.memory_space<hbm>> -> memref<512xi32, #tpu.memory_space<hbm>>
      tpu.wait_dma2 semaphore(%run_scoped3A : memref<!tpu.dma_semaphore, #tpu.memory_space<semaphore_mem>>) src(%dma_wait3A : memref<512xi32, #tpu.memory_space<hbm>>) dst(%arg4 : memref<512xi32, #tpu.memory_space<smem>>)
      tpu.yield
    }) : () -> ()
    %scan3A_33 = arith.constant 0 : i32
    %scan3A_34 = arith.constant 0 : i32
    %scan3A_35 = arith.constant 512 : i32
    %scan3A_36 = arith.addi %scan3A_34, %scan3A_35 : i32
    %scan3A_37 = arith.constant 8 : i32
    scf.for %scan3A_61 = %scan3A_34 to %scan3A_36 step %scan3A_37  : i32 {
      %get3A = arith.index_cast %scan3A_61 : i32 to index
      %get3A_62 = memref.load %arg4[%get3A] : memref<512xi32, #tpu.memory_space<smem>>
      %add3A_63 = arith.constant 2048 : i32
      %add3A_64 = arith.addi %add3A_63, %scan3A_61 : i32
      %dma_start3A = arith.constant 0 : i32
      %dma_start3A_65 = tpu.memref_slice %arg5[%add3A_64, %dma_start3A] : memref<3584x64xf32, #tpu.memory_space<vmem_shared>> -> memref<1x64xf32, #tpu.memory_space<vmem_shared>>
      %dma_start3A_66 = arith.constant 0 : i32
      %dma_start3A_67 = tpu.memref_slice %arg1[%get3A_62, %dma_start3A_66] : memref<1000000x64xf32, #tpu.memory_space<hbm>> -> memref<1x64xf32, #tpu.memory_space<hbm>>
      tpu.enqueue_dma source(%dma_start3A_67 : memref<1x64xf32, #tpu.memory_space<hbm>>) target(%dma_start3A_65 : memref<1x64xf32, #tpu.memory_space<vmem_shared>>) target_semaphore(%arg6 : memref<!tpu.dma_semaphore, #tpu.memory_space<semaphore_mem>>)
      %scan3A_68 = arith.constant 1 : i32
      %scan3A_69 = arith.addi %scan3A_61, %scan3A_68 : i32
      %get3A_70 = arith.index_cast %scan3A_69 : i32 to index
      %get3A_71 = memref.load %arg4[%get3A_70] : memref<512xi32, #tpu.memory_space<smem>>
      %add3A_72 = arith.constant 2048 : i32
      %add3A_73 = arith.addi %add3A_72, %scan3A_69 : i32
      %dma_start3A_74 = arith.constant 0 : i32
      %dma_start3A_75 = tpu.memref_slice %arg5[%add3A_73, %dma_start3A_74] : memref<3584x64xf32, #tpu.memory_space<vmem_shared>> -> memref<1x64xf32, #tpu.memory_space<vmem_shared>>
      %dma_start3A_76 = arith.constant 0 : i32
      %dma_start3A_77 = tpu.memref_slice %arg1[%get3A_71, %dma_start3A_76] : memref<1000000x64xf32, #tpu.memory_space<hbm>> -> memref<1x64xf32, #tpu.memory_space<hbm>>
      tpu.enqueue_dma source(%dma_start3A_77 : memref<1x64xf32, #tpu.memory_space<hbm>>) target(%dma_start3A_75 : memref<1x64xf32, #tpu.memory_space<vmem_shared>>) target_semaphore(%arg6 : memref<!tpu.dma_semaphore, #tpu.memory_space<semaphore_mem>>)
      %scan3A_78 = arith.constant 2 : i32
      %scan3A_79 = arith.addi %scan3A_61, %scan3A_78 : i32
      %get3A_80 = arith.index_cast %scan3A_79 : i32 to index
      %get3A_81 = memref.load %arg4[%get3A_80] : memref<512xi32, #tpu.memory_space<smem>>
      %add3A_82 = arith.constant 2048 : i32
      %add3A_83 = arith.addi %add3A_82, %scan3A_79 : i32
      %dma_start3A_84 = arith.constant 0 : i32
      %dma_start3A_85 = tpu.memref_slice %arg5[%add3A_83, %dma_start3A_84] : memref<3584x64xf32, #tpu.memory_space<vmem_shared>> -> memref<1x64xf32, #tpu.memory_space<vmem_shared>>
      %dma_start3A_86 = arith.constant 0 : i32
      %dma_start3A_87 = tpu.memref_slice %arg1[%get3A_81, %dma_start3A_86] : memref<1000000x64xf32, #tpu.memory_space<hbm>> -> memref<1x64xf32, #tpu.memory_space<hbm>>
      tpu.enqueue_dma source(%dma_start3A_87 : memref<1x64xf32, #tpu.memory_space<hbm>>) target(%dma_start3A_85 : memref<1x64xf32, #tpu.memory_space<vmem_shared>>) target_semaphore(%arg6 : memref<!tpu.dma_semaphore, #tpu.memory_space<semaphore_mem>>)
      %scan3A_88 = arith.constant 3 : i32
      %scan3A_89 = arith.addi %scan3A_61, %scan3A_88 : i32
      %get3A_90 = arith.index_cast %scan3A_89 : i32 to index
      %get3A_91 = memref.load %arg4[%get3A_90] : memref<512xi32, #tpu.memory_space<smem>>
      %add3A_92 = arith.constant 2048 : i32
      %add3A_93 = arith.addi %add3A_92, %scan3A_89 : i32
      %dma_start3A_94 = arith.constant 0 : i32
      %dma_start3A_95 = tpu.memref_slice %arg5[%add3A_93, %dma_start3A_94] : memref<3584x64xf32, #tpu.memory_space<vmem_shared>> -> memref<1x64xf32, #tpu.memory_space<vmem_shared>>
      %dma_start3A_96 = arith.constant 0 : i32
      %dma_start3A_97 = tpu.memref_slice %arg1[%get3A_91, %dma_start3A_96] : memref<1000000x64xf32, #tpu.memory_space<hbm>> -> memref<1x64xf32, #tpu.memory_space<hbm>>
      tpu.enqueue_dma source(%dma_start3A_97 : memref<1x64xf32, #tpu.memory_space<hbm>>) target(%dma_start3A_95 : memref<1x64xf32, #tpu.memory_space<vmem_shared>>) target_semaphore(%arg6 : memref<!tpu.dma_semaphore, #tpu.memory_space<semaphore_mem>>)
      %scan3A_98 = arith.constant 4 : i32
      %scan3A_99 = arith.addi %scan3A_61, %scan3A_98 : i32
      %get3A_100 = arith.index_cast %scan3A_99 : i32 to index
      %get3A_101 = memref.load %arg4[%get3A_100] : memref<512xi32, #tpu.memory_space<smem>>
      %add3A_102 = arith.constant 2048 : i32
      %add3A_103 = arith.addi %add3A_102, %scan3A_99 : i32
      %dma_start3A_104 = arith.constant 0 : i32
      %dma_start3A_105 = tpu.memref_slice %arg5[%add3A_103, %dma_start3A_104] : memref<3584x64xf32, #tpu.memory_space<vmem_shared>> -> memref<1x64xf32, #tpu.memory_space<vmem_shared>>
      %dma_start3A_106 = arith.constant 0 : i32
      %dma_start3A_107 = tpu.memref_slice %arg1[%get3A_101, %dma_start3A_106] : memref<1000000x64xf32, #tpu.memory_space<hbm>> -> memref<1x64xf32, #tpu.memory_space<hbm>>
      tpu.enqueue_dma source(%dma_start3A_107 : memref<1x64xf32, #tpu.memory_space<hbm>>) target(%dma_start3A_105 : memref<1x64xf32, #tpu.memory_space<vmem_shared>>) target_semaphore(%arg6 : memref<!tpu.dma_semaphore, #tpu.memory_space<semaphore_mem>>)
      %scan3A_108 = arith.constant 5 : i32
      %scan3A_109 = arith.addi %scan3A_61, %scan3A_108 : i32
      %get3A_110 = arith.index_cast %scan3A_109 : i32 to index
      %get3A_111 = memref.load %arg4[%get3A_110] : memref<512xi32, #tpu.memory_space<smem>>
      %add3A_112 = arith.constant 2048 : i32
      %add3A_113 = arith.addi %add3A_112, %scan3A_109 : i32
      %dma_start3A_114 = arith.constant 0 : i32
      %dma_start3A_115 = tpu.memref_slice %arg5[%add3A_113, %dma_start3A_114] : memref<3584x64xf32, #tpu.memory_space<vmem_shared>> -> memref<1x64xf32, #tpu.memory_space<vmem_shared>>
      %dma_start3A_116 = arith.constant 0 : i32
      %dma_start3A_117 = tpu.memref_slice %arg1[%get3A_111, %dma_start3A_116] : memref<1000000x64xf32, #tpu.memory_space<hbm>> -> memref<1x64xf32, #tpu.memory_space<hbm>>
      tpu.enqueue_dma source(%dma_start3A_117 : memref<1x64xf32, #tpu.memory_space<hbm>>) target(%dma_start3A_115 : memref<1x64xf32, #tpu.memory_space<vmem_shared>>) target_semaphore(%arg6 : memref<!tpu.dma_semaphore, #tpu.memory_space<semaphore_mem>>)
      %scan3A_118 = arith.constant 6 : i32
      %scan3A_119 = arith.addi %scan3A_61, %scan3A_118 : i32
      %get3A_120 = arith.index_cast %scan3A_119 : i32 to index
      %get3A_121 = memref.load %arg4[%get3A_120] : memref<512xi32, #tpu.memory_space<smem>>
      %add3A_122 = arith.constant 2048 : i32
      %add3A_123 = arith.addi %add3A_122, %scan3A_119 : i32
      %dma_start3A_124 = arith.constant 0 : i32
      %dma_start3A_125 = tpu.memref_slice %arg5[%add3A_123, %dma_start3A_124] : memref<3584x64xf32, #tpu.memory_space<vmem_shared>> -> memref<1x64xf32, #tpu.memory_space<vmem_shared>>
      %dma_start3A_126 = arith.constant 0 : i32
      %dma_start3A_127 = tpu.memref_slice %arg1[%get3A_121, %dma_start3A_126] : memref<1000000x64xf32, #tpu.memory_space<hbm>> -> memref<1x64xf32, #tpu.memory_space<hbm>>
      tpu.enqueue_dma source(%dma_start3A_127 : memref<1x64xf32, #tpu.memory_space<hbm>>) target(%dma_start3A_125 : memref<1x64xf32, #tpu.memory_space<vmem_shared>>) target_semaphore(%arg6 : memref<!tpu.dma_semaphore, #tpu.memory_space<semaphore_mem>>)
      %scan3A_128 = arith.constant 7 : i32
      %scan3A_129 = arith.addi %scan3A_61, %scan3A_128 : i32
      %get3A_130 = arith.index_cast %scan3A_129 : i32 to index
      %get3A_131 = memref.load %arg4[%get3A_130] : memref<512xi32, #tpu.memory_space<smem>>
      %add3A_132 = arith.constant 2048 : i32
      %add3A_133 = arith.addi %add3A_132, %scan3A_129 : i32
      %dma_start3A_134 = arith.constant 0 : i32
      %dma_start3A_135 = tpu.memref_slice %arg5[%add3A_133, %dma_start3A_134] : memref<3584x64xf32, #tpu.memory_space<vmem_shared>> -> memref<1x64xf32, #tpu.memory_space<vmem_shared>>
      %dma_start3A_136 = arith.constant 0 : i32
      %dma_start3A_137 = tpu.memref_slice %arg1[%get3A_131, %dma_start3A_136] : memref<1000000x64xf32, #tpu.memory_space<hbm>> -> memref<1x64xf32, #tpu.memory_space<hbm>>
      tpu.enqueue_dma source(%dma_start3A_137 : memref<1x64xf32, #tpu.memory_space<hbm>>) target(%dma_start3A_135 : memref<1x64xf32, #tpu.memory_space<vmem_shared>>) target_semaphore(%arg6 : memref<!tpu.dma_semaphore, #tpu.memory_space<semaphore_mem>>)
    }
    %scan3A_38 = arith.constant 512 : i32
    %add3A_39 = arith.constant 2560 : i32
    %add3A_40 = arith.addi %mul3A_0, %add3A_39 : i32
    "tpu.region"() ({
      %run_scoped3A = tpu.sem_alloc : memref<!tpu.dma_semaphore, #tpu.memory_space<semaphore_mem>>
      %dma_start3A = tpu.memref_slice %arg2[%add3A_40] : memref<7168xi32, #tpu.memory_space<hbm>> -> memref<512xi32, #tpu.memory_space<hbm>>
      tpu.enqueue_dma source(%dma_start3A : memref<512xi32, #tpu.memory_space<hbm>>) target(%arg4 : memref<512xi32, #tpu.memory_space<smem>>) target_semaphore(%run_scoped3A : memref<!tpu.dma_semaphore, #tpu.memory_space<semaphore_mem>>)
      %dma_wait3A = tpu.memref_slice %arg2[%add3A_40] : memref<7168xi32, #tpu.memory_space<hbm>> -> memref<512xi32, #tpu.memory_space<hbm>>
      tpu.wait_dma2 semaphore(%run_scoped3A : memref<!tpu.dma_semaphore, #tpu.memory_space<semaphore_mem>>) src(%dma_wait3A : memref<512xi32, #tpu.memory_space<hbm>>) dst(%arg4 : memref<512xi32, #tpu.memory_space<smem>>)
      tpu.yield
    }) : () -> ()
    %scan3A_41 = arith.constant 0 : i32
    %scan3A_42 = arith.constant 0 : i32
    %scan3A_43 = arith.constant 512 : i32
    %scan3A_44 = arith.addi %scan3A_42, %scan3A_43 : i32
    %scan3A_45 = arith.constant 8 : i32
    scf.for %scan3A_61 = %scan3A_42 to %scan3A_44 step %scan3A_45  : i32 {
      %get3A = arith.index_cast %scan3A_61 : i32 to index
      %get3A_62 = memref.load %arg4[%get3A] : memref<512xi32, #tpu.memory_space<smem>>
      %add3A_63 = arith.constant 2560 : i32
      %add3A_64 = arith.addi %add3A_63, %scan3A_61 : i32
      %dma_start3A = arith.constant 0 : i32
      %dma_start3A_65 = tpu.memref_slice %arg5[%add3A_64, %dma_start3A] : memref<3584x64xf32, #tpu.memory_space<vmem_shared>> -> memref<1x64xf32, #tpu.memory_space<vmem_shared>>
      %dma_start3A_66 = arith.constant 0 : i32
      %dma_start3A_67 = tpu.memref_slice %arg1[%get3A_62, %dma_start3A_66] : memref<1000000x64xf32, #tpu.memory_space<hbm>> -> memref<1x64xf32, #tpu.memory_space<hbm>>
      tpu.enqueue_dma source(%dma_start3A_67 : memref<1x64xf32, #tpu.memory_space<hbm>>) target(%dma_start3A_65 : memref<1x64xf32, #tpu.memory_space<vmem_shared>>) target_semaphore(%arg6 : memref<!tpu.dma_semaphore, #tpu.memory_space<semaphore_mem>>)
      %scan3A_68 = arith.constant 1 : i32
      %scan3A_69 = arith.addi %scan3A_61, %scan3A_68 : i32
      %get3A_70 = arith.index_cast %scan3A_69 : i32 to index
      %get3A_71 = memref.load %arg4[%get3A_70] : memref<512xi32, #tpu.memory_space<smem>>
      %add3A_72 = arith.constant 2560 : i32
      %add3A_73 = arith.addi %add3A_72, %scan3A_69 : i32
      %dma_start3A_74 = arith.constant 0 : i32
      %dma_start3A_75 = tpu.memref_slice %arg5[%add3A_73, %dma_start3A_74] : memref<3584x64xf32, #tpu.memory_space<vmem_shared>> -> memref<1x64xf32, #tpu.memory_space<vmem_shared>>
      %dma_start3A_76 = arith.constant 0 : i32
      %dma_start3A_77 = tpu.memref_slice %arg1[%get3A_71, %dma_start3A_76] : memref<1000000x64xf32, #tpu.memory_space<hbm>> -> memref<1x64xf32, #tpu.memory_space<hbm>>
      tpu.enqueue_dma source(%dma_start3A_77 : memref<1x64xf32, #tpu.memory_space<hbm>>) target(%dma_start3A_75 : memref<1x64xf32, #tpu.memory_space<vmem_shared>>) target_semaphore(%arg6 : memref<!tpu.dma_semaphore, #tpu.memory_space<semaphore_mem>>)
      %scan3A_78 = arith.constant 2 : i32
      %scan3A_79 = arith.addi %scan3A_61, %scan3A_78 : i32
      %get3A_80 = arith.index_cast %scan3A_79 : i32 to index
      %get3A_81 = memref.load %arg4[%get3A_80] : memref<512xi32, #tpu.memory_space<smem>>
      %add3A_82 = arith.constant 2560 : i32
      %add3A_83 = arith.addi %add3A_82, %scan3A_79 : i32
      %dma_start3A_84 = arith.constant 0 : i32
      %dma_start3A_85 = tpu.memref_slice %arg5[%add3A_83, %dma_start3A_84] : memref<3584x64xf32, #tpu.memory_space<vmem_shared>> -> memref<1x64xf32, #tpu.memory_space<vmem_shared>>
      %dma_start3A_86 = arith.constant 0 : i32
      %dma_start3A_87 = tpu.memref_slice %arg1[%get3A_81, %dma_start3A_86] : memref<1000000x64xf32, #tpu.memory_space<hbm>> -> memref<1x64xf32, #tpu.memory_space<hbm>>
      tpu.enqueue_dma source(%dma_start3A_87 : memref<1x64xf32, #tpu.memory_space<hbm>>) target(%dma_start3A_85 : memref<1x64xf32, #tpu.memory_space<vmem_shared>>) target_semaphore(%arg6 : memref<!tpu.dma_semaphore, #tpu.memory_space<semaphore_mem>>)
      %scan3A_88 = arith.constant 3 : i32
      %scan3A_89 = arith.addi %scan3A_61, %scan3A_88 : i32
      %get3A_90 = arith.index_cast %scan3A_89 : i32 to index
      %get3A_91 = memref.load %arg4[%get3A_90] : memref<512xi32, #tpu.memory_space<smem>>
      %add3A_92 = arith.constant 2560 : i32
      %add3A_93 = arith.addi %add3A_92, %scan3A_89 : i32
      %dma_start3A_94 = arith.constant 0 : i32
      %dma_start3A_95 = tpu.memref_slice %arg5[%add3A_93, %dma_start3A_94] : memref<3584x64xf32, #tpu.memory_space<vmem_shared>> -> memref<1x64xf32, #tpu.memory_space<vmem_shared>>
      %dma_start3A_96 = arith.constant 0 : i32
      %dma_start3A_97 = tpu.memref_slice %arg1[%get3A_91, %dma_start3A_96] : memref<1000000x64xf32, #tpu.memory_space<hbm>> -> memref<1x64xf32, #tpu.memory_space<hbm>>
      tpu.enqueue_dma source(%dma_start3A_97 : memref<1x64xf32, #tpu.memory_space<hbm>>) target(%dma_start3A_95 : memref<1x64xf32, #tpu.memory_space<vmem_shared>>) target_semaphore(%arg6 : memref<!tpu.dma_semaphore, #tpu.memory_space<semaphore_mem>>)
      %scan3A_98 = arith.constant 4 : i32
      %scan3A_99 = arith.addi %scan3A_61, %scan3A_98 : i32
      %get3A_100 = arith.index_cast %scan3A_99 : i32 to index
      %get3A_101 = memref.load %arg4[%get3A_100] : memref<512xi32, #tpu.memory_space<smem>>
      %add3A_102 = arith.constant 2560 : i32
      %add3A_103 = arith.addi %add3A_102, %scan3A_99 : i32
      %dma_start3A_104 = arith.constant 0 : i32
      %dma_start3A_105 = tpu.memref_slice %arg5[%add3A_103, %dma_start3A_104] : memref<3584x64xf32, #tpu.memory_space<vmem_shared>> -> memref<1x64xf32, #tpu.memory_space<vmem_shared>>
      %dma_start3A_106 = arith.constant 0 : i32
      %dma_start3A_107 = tpu.memref_slice %arg1[%get3A_101, %dma_start3A_106] : memref<1000000x64xf32, #tpu.memory_space<hbm>> -> memref<1x64xf32, #tpu.memory_space<hbm>>
      tpu.enqueue_dma source(%dma_start3A_107 : memref<1x64xf32, #tpu.memory_space<hbm>>) target(%dma_start3A_105 : memref<1x64xf32, #tpu.memory_space<vmem_shared>>) target_semaphore(%arg6 : memref<!tpu.dma_semaphore, #tpu.memory_space<semaphore_mem>>)
      %scan3A_108 = arith.constant 5 : i32
      %scan3A_109 = arith.addi %scan3A_61, %scan3A_108 : i32
      %get3A_110 = arith.index_cast %scan3A_109 : i32 to index
      %get3A_111 = memref.load %arg4[%get3A_110] : memref<512xi32, #tpu.memory_space<smem>>
      %add3A_112 = arith.constant 2560 : i32
      %add3A_113 = arith.addi %add3A_112, %scan3A_109 : i32
      %dma_start3A_114 = arith.constant 0 : i32
      %dma_start3A_115 = tpu.memref_slice %arg5[%add3A_113, %dma_start3A_114] : memref<3584x64xf32, #tpu.memory_space<vmem_shared>> -> memref<1x64xf32, #tpu.memory_space<vmem_shared>>
      %dma_start3A_116 = arith.constant 0 : i32
      %dma_start3A_117 = tpu.memref_slice %arg1[%get3A_111, %dma_start3A_116] : memref<1000000x64xf32, #tpu.memory_space<hbm>> -> memref<1x64xf32, #tpu.memory_space<hbm>>
      tpu.enqueue_dma source(%dma_start3A_117 : memref<1x64xf32, #tpu.memory_space<hbm>>) target(%dma_start3A_115 : memref<1x64xf32, #tpu.memory_space<vmem_shared>>) target_semaphore(%arg6 : memref<!tpu.dma_semaphore, #tpu.memory_space<semaphore_mem>>)
      %scan3A_118 = arith.constant 6 : i32
      %scan3A_119 = arith.addi %scan3A_61, %scan3A_118 : i32
      %get3A_120 = arith.index_cast %scan3A_119 : i32 to index
      %get3A_121 = memref.load %arg4[%get3A_120] : memref<512xi32, #tpu.memory_space<smem>>
      %add3A_122 = arith.constant 2560 : i32
      %add3A_123 = arith.addi %add3A_122, %scan3A_119 : i32
      %dma_start3A_124 = arith.constant 0 : i32
      %dma_start3A_125 = tpu.memref_slice %arg5[%add3A_123, %dma_start3A_124] : memref<3584x64xf32, #tpu.memory_space<vmem_shared>> -> memref<1x64xf32, #tpu.memory_space<vmem_shared>>
      %dma_start3A_126 = arith.constant 0 : i32
      %dma_start3A_127 = tpu.memref_slice %arg1[%get3A_121, %dma_start3A_126] : memref<1000000x64xf32, #tpu.memory_space<hbm>> -> memref<1x64xf32, #tpu.memory_space<hbm>>
      tpu.enqueue_dma source(%dma_start3A_127 : memref<1x64xf32, #tpu.memory_space<hbm>>) target(%dma_start3A_125 : memref<1x64xf32, #tpu.memory_space<vmem_shared>>) target_semaphore(%arg6 : memref<!tpu.dma_semaphore, #tpu.memory_space<semaphore_mem>>)
      %scan3A_128 = arith.constant 7 : i32
      %scan3A_129 = arith.addi %scan3A_61, %scan3A_128 : i32
      %get3A_130 = arith.index_cast %scan3A_129 : i32 to index
      %get3A_131 = memref.load %arg4[%get3A_130] : memref<512xi32, #tpu.memory_space<smem>>
      %add3A_132 = arith.constant 2560 : i32
      %add3A_133 = arith.addi %add3A_132, %scan3A_129 : i32
      %dma_start3A_134 = arith.constant 0 : i32
      %dma_start3A_135 = tpu.memref_slice %arg5[%add3A_133, %dma_start3A_134] : memref<3584x64xf32, #tpu.memory_space<vmem_shared>> -> memref<1x64xf32, #tpu.memory_space<vmem_shared>>
      %dma_start3A_136 = arith.constant 0 : i32
      %dma_start3A_137 = tpu.memref_slice %arg1[%get3A_131, %dma_start3A_136] : memref<1000000x64xf32, #tpu.memory_space<hbm>> -> memref<1x64xf32, #tpu.memory_space<hbm>>
      tpu.enqueue_dma source(%dma_start3A_137 : memref<1x64xf32, #tpu.memory_space<hbm>>) target(%dma_start3A_135 : memref<1x64xf32, #tpu.memory_space<vmem_shared>>) target_semaphore(%arg6 : memref<!tpu.dma_semaphore, #tpu.memory_space<semaphore_mem>>)
    }
    %scan3A_46 = arith.constant 512 : i32
    %add3A_47 = arith.constant 3072 : i32
    %add3A_48 = arith.addi %mul3A_0, %add3A_47 : i32
    "tpu.region"() ({
      %run_scoped3A = tpu.sem_alloc : memref<!tpu.dma_semaphore, #tpu.memory_space<semaphore_mem>>
      %dma_start3A = tpu.memref_slice %arg2[%add3A_48] : memref<7168xi32, #tpu.memory_space<hbm>> -> memref<512xi32, #tpu.memory_space<hbm>>
      tpu.enqueue_dma source(%dma_start3A : memref<512xi32, #tpu.memory_space<hbm>>) target(%arg4 : memref<512xi32, #tpu.memory_space<smem>>) target_semaphore(%run_scoped3A : memref<!tpu.dma_semaphore, #tpu.memory_space<semaphore_mem>>)
      %dma_wait3A = tpu.memref_slice %arg2[%add3A_48] : memref<7168xi32, #tpu.memory_space<hbm>> -> memref<512xi32, #tpu.memory_space<hbm>>
      tpu.wait_dma2 semaphore(%run_scoped3A : memref<!tpu.dma_semaphore, #tpu.memory_space<semaphore_mem>>) src(%dma_wait3A : memref<512xi32, #tpu.memory_space<hbm>>) dst(%arg4 : memref<512xi32, #tpu.memory_space<smem>>)
      tpu.yield
    }) : () -> ()
    %scan3A_49 = arith.constant 0 : i32
    %scan3A_50 = arith.constant 0 : i32
    %scan3A_51 = arith.constant 512 : i32
    %scan3A_52 = arith.addi %scan3A_50, %scan3A_51 : i32
    %scan3A_53 = arith.constant 8 : i32
    scf.for %scan3A_61 = %scan3A_50 to %scan3A_52 step %scan3A_53  : i32 {
      %get3A = arith.index_cast %scan3A_61 : i32 to index
      %get3A_62 = memref.load %arg4[%get3A] : memref<512xi32, #tpu.memory_space<smem>>
      %add3A_63 = arith.constant 3072 : i32
      %add3A_64 = arith.addi %add3A_63, %scan3A_61 : i32
      %dma_start3A = arith.constant 0 : i32
      %dma_start3A_65 = tpu.memref_slice %arg5[%add3A_64, %dma_start3A] : memref<3584x64xf32, #tpu.memory_space<vmem_shared>> -> memref<1x64xf32, #tpu.memory_space<vmem_shared>>
      %dma_start3A_66 = arith.constant 0 : i32
      %dma_start3A_67 = tpu.memref_slice %arg1[%get3A_62, %dma_start3A_66] : memref<1000000x64xf32, #tpu.memory_space<hbm>> -> memref<1x64xf32, #tpu.memory_space<hbm>>
      tpu.enqueue_dma source(%dma_start3A_67 : memref<1x64xf32, #tpu.memory_space<hbm>>) target(%dma_start3A_65 : memref<1x64xf32, #tpu.memory_space<vmem_shared>>) target_semaphore(%arg6 : memref<!tpu.dma_semaphore, #tpu.memory_space<semaphore_mem>>)
      %scan3A_68 = arith.constant 1 : i32
      %scan3A_69 = arith.addi %scan3A_61, %scan3A_68 : i32
      %get3A_70 = arith.index_cast %scan3A_69 : i32 to index
      %get3A_71 = memref.load %arg4[%get3A_70] : memref<512xi32, #tpu.memory_space<smem>>
      %add3A_72 = arith.constant 3072 : i32
      %add3A_73 = arith.addi %add3A_72, %scan3A_69 : i32
      %dma_start3A_74 = arith.constant 0 : i32
      %dma_start3A_75 = tpu.memref_slice %arg5[%add3A_73, %dma_start3A_74] : memref<3584x64xf32, #tpu.memory_space<vmem_shared>> -> memref<1x64xf32, #tpu.memory_space<vmem_shared>>
      %dma_start3A_76 = arith.constant 0 : i32
      %dma_start3A_77 = tpu.memref_slice %arg1[%get3A_71, %dma_start3A_76] : memref<1000000x64xf32, #tpu.memory_space<hbm>> -> memref<1x64xf32, #tpu.memory_space<hbm>>
      tpu.enqueue_dma source(%dma_start3A_77 : memref<1x64xf32, #tpu.memory_space<hbm>>) target(%dma_start3A_75 : memref<1x64xf32, #tpu.memory_space<vmem_shared>>) target_semaphore(%arg6 : memref<!tpu.dma_semaphore, #tpu.memory_space<semaphore_mem>>)
      %scan3A_78 = arith.constant 2 : i32
      %scan3A_79 = arith.addi %scan3A_61, %scan3A_78 : i32
      %get3A_80 = arith.index_cast %scan3A_79 : i32 to index
      %get3A_81 = memref.load %arg4[%get3A_80] : memref<512xi32, #tpu.memory_space<smem>>
      %add3A_82 = arith.constant 3072 : i32
      %add3A_83 = arith.addi %add3A_82, %scan3A_79 : i32
      %dma_start3A_84 = arith.constant 0 : i32
      %dma_start3A_85 = tpu.memref_slice %arg5[%add3A_83, %dma_start3A_84] : memref<3584x64xf32, #tpu.memory_space<vmem_shared>> -> memref<1x64xf32, #tpu.memory_space<vmem_shared>>
      %dma_start3A_86 = arith.constant 0 : i32
      %dma_start3A_87 = tpu.memref_slice %arg1[%get3A_81, %dma_start3A_86] : memref<1000000x64xf32, #tpu.memory_space<hbm>> -> memref<1x64xf32, #tpu.memory_space<hbm>>
      tpu.enqueue_dma source(%dma_start3A_87 : memref<1x64xf32, #tpu.memory_space<hbm>>) target(%dma_start3A_85 : memref<1x64xf32, #tpu.memory_space<vmem_shared>>) target_semaphore(%arg6 : memref<!tpu.dma_semaphore, #tpu.memory_space<semaphore_mem>>)
      %scan3A_88 = arith.constant 3 : i32
      %scan3A_89 = arith.addi %scan3A_61, %scan3A_88 : i32
      %get3A_90 = arith.index_cast %scan3A_89 : i32 to index
      %get3A_91 = memref.load %arg4[%get3A_90] : memref<512xi32, #tpu.memory_space<smem>>
      %add3A_92 = arith.constant 3072 : i32
      %add3A_93 = arith.addi %add3A_92, %scan3A_89 : i32
      %dma_start3A_94 = arith.constant 0 : i32
      %dma_start3A_95 = tpu.memref_slice %arg5[%add3A_93, %dma_start3A_94] : memref<3584x64xf32, #tpu.memory_space<vmem_shared>> -> memref<1x64xf32, #tpu.memory_space<vmem_shared>>
      %dma_start3A_96 = arith.constant 0 : i32
      %dma_start3A_97 = tpu.memref_slice %arg1[%get3A_91, %dma_start3A_96] : memref<1000000x64xf32, #tpu.memory_space<hbm>> -> memref<1x64xf32, #tpu.memory_space<hbm>>
      tpu.enqueue_dma source(%dma_start3A_97 : memref<1x64xf32, #tpu.memory_space<hbm>>) target(%dma_start3A_95 : memref<1x64xf32, #tpu.memory_space<vmem_shared>>) target_semaphore(%arg6 : memref<!tpu.dma_semaphore, #tpu.memory_space<semaphore_mem>>)
      %scan3A_98 = arith.constant 4 : i32
      %scan3A_99 = arith.addi %scan3A_61, %scan3A_98 : i32
      %get3A_100 = arith.index_cast %scan3A_99 : i32 to index
      %get3A_101 = memref.load %arg4[%get3A_100] : memref<512xi32, #tpu.memory_space<smem>>
      %add3A_102 = arith.constant 3072 : i32
      %add3A_103 = arith.addi %add3A_102, %scan3A_99 : i32
      %dma_start3A_104 = arith.constant 0 : i32
      %dma_start3A_105 = tpu.memref_slice %arg5[%add3A_103, %dma_start3A_104] : memref<3584x64xf32, #tpu.memory_space<vmem_shared>> -> memref<1x64xf32, #tpu.memory_space<vmem_shared>>
      %dma_start3A_106 = arith.constant 0 : i32
      %dma_start3A_107 = tpu.memref_slice %arg1[%get3A_101, %dma_start3A_106] : memref<1000000x64xf32, #tpu.memory_space<hbm>> -> memref<1x64xf32, #tpu.memory_space<hbm>>
      tpu.enqueue_dma source(%dma_start3A_107 : memref<1x64xf32, #tpu.memory_space<hbm>>) target(%dma_start3A_105 : memref<1x64xf32, #tpu.memory_space<vmem_shared>>) target_semaphore(%arg6 : memref<!tpu.dma_semaphore, #tpu.memory_space<semaphore_mem>>)
      %scan3A_108 = arith.constant 5 : i32
      %scan3A_109 = arith.addi %scan3A_61, %scan3A_108 : i32
      %get3A_110 = arith.index_cast %scan3A_109 : i32 to index
      %get3A_111 = memref.load %arg4[%get3A_110] : memref<512xi32, #tpu.memory_space<smem>>
      %add3A_112 = arith.constant 3072 : i32
      %add3A_113 = arith.addi %add3A_112, %scan3A_109 : i32
      %dma_start3A_114 = arith.constant 0 : i32
      %dma_start3A_115 = tpu.memref_slice %arg5[%add3A_113, %dma_start3A_114] : memref<3584x64xf32, #tpu.memory_space<vmem_shared>> -> memref<1x64xf32, #tpu.memory_space<vmem_shared>>
      %dma_start3A_116 = arith.constant 0 : i32
      %dma_start3A_117 = tpu.memref_slice %arg1[%get3A_111, %dma_start3A_116] : memref<1000000x64xf32, #tpu.memory_space<hbm>> -> memref<1x64xf32, #tpu.memory_space<hbm>>
      tpu.enqueue_dma source(%dma_start3A_117 : memref<1x64xf32, #tpu.memory_space<hbm>>) target(%dma_start3A_115 : memref<1x64xf32, #tpu.memory_space<vmem_shared>>) target_semaphore(%arg6 : memref<!tpu.dma_semaphore, #tpu.memory_space<semaphore_mem>>)
      %scan3A_118 = arith.constant 6 : i32
      %scan3A_119 = arith.addi %scan3A_61, %scan3A_118 : i32
      %get3A_120 = arith.index_cast %scan3A_119 : i32 to index
      %get3A_121 = memref.load %arg4[%get3A_120] : memref<512xi32, #tpu.memory_space<smem>>
      %add3A_122 = arith.constant 3072 : i32
      %add3A_123 = arith.addi %add3A_122, %scan3A_119 : i32
      %dma_start3A_124 = arith.constant 0 : i32
      %dma_start3A_125 = tpu.memref_slice %arg5[%add3A_123, %dma_start3A_124] : memref<3584x64xf32, #tpu.memory_space<vmem_shared>> -> memref<1x64xf32, #tpu.memory_space<vmem_shared>>
      %dma_start3A_126 = arith.constant 0 : i32
      %dma_start3A_127 = tpu.memref_slice %arg1[%get3A_121, %dma_start3A_126] : memref<1000000x64xf32, #tpu.memory_space<hbm>> -> memref<1x64xf32, #tpu.memory_space<hbm>>
      tpu.enqueue_dma source(%dma_start3A_127 : memref<1x64xf32, #tpu.memory_space<hbm>>) target(%dma_start3A_125 : memref<1x64xf32, #tpu.memory_space<vmem_shared>>) target_semaphore(%arg6 : memref<!tpu.dma_semaphore, #tpu.memory_space<semaphore_mem>>)
      %scan3A_128 = arith.constant 7 : i32
      %scan3A_129 = arith.addi %scan3A_61, %scan3A_128 : i32
      %get3A_130 = arith.index_cast %scan3A_129 : i32 to index
      %get3A_131 = memref.load %arg4[%get3A_130] : memref<512xi32, #tpu.memory_space<smem>>
      %add3A_132 = arith.constant 3072 : i32
      %add3A_133 = arith.addi %add3A_132, %scan3A_129 : i32
      %dma_start3A_134 = arith.constant 0 : i32
      %dma_start3A_135 = tpu.memref_slice %arg5[%add3A_133, %dma_start3A_134] : memref<3584x64xf32, #tpu.memory_space<vmem_shared>> -> memref<1x64xf32, #tpu.memory_space<vmem_shared>>
      %dma_start3A_136 = arith.constant 0 : i32
      %dma_start3A_137 = tpu.memref_slice %arg1[%get3A_131, %dma_start3A_136] : memref<1000000x64xf32, #tpu.memory_space<hbm>> -> memref<1x64xf32, #tpu.memory_space<hbm>>
      tpu.enqueue_dma source(%dma_start3A_137 : memref<1x64xf32, #tpu.memory_space<hbm>>) target(%dma_start3A_135 : memref<1x64xf32, #tpu.memory_space<vmem_shared>>) target_semaphore(%arg6 : memref<!tpu.dma_semaphore, #tpu.memory_space<semaphore_mem>>)
    }
    %scan3A_54 = arith.constant 512 : i32
    %scan3A_55 = arith.constant 0 : i32
    %scan3A_56 = arith.constant 0 : i32
    %scan3A_57 = arith.constant 3584 : i32
    %scan3A_58 = arith.addi %scan3A_56, %scan3A_57 : i32
    %scan3A_59 = arith.constant 8 : i32
    scf.for %scan3A_61 = %scan3A_56 to %scan3A_58 step %scan3A_59  : i32 {
      %dma_wait3A = arith.constant 0 : i32
      %dma_wait3A_62 = arith.constant 0 : i32
      %dma_wait3A_63 = tpu.memref_slice %arg5[%dma_wait3A, %dma_wait3A_62] : memref<3584x64xf32, #tpu.memory_space<vmem_shared>> -> memref<1x64xf32, #tpu.memory_space<vmem_shared>>
      %dma_wait3A_64 = arith.constant 0 : i32
      %dma_wait3A_65 = arith.constant 0 : i32
      %dma_wait3A_66 = tpu.memref_slice %arg1[%dma_wait3A_64, %dma_wait3A_65] : memref<1000000x64xf32, #tpu.memory_space<hbm>> -> memref<1x64xf32, #tpu.memory_space<hbm>>
      tpu.wait_dma2 semaphore(%arg6 : memref<!tpu.dma_semaphore, #tpu.memory_space<semaphore_mem>>) src(%dma_wait3A_66 : memref<1x64xf32, #tpu.memory_space<hbm>>) dst(%dma_wait3A_63 : memref<1x64xf32, #tpu.memory_space<vmem_shared>>)
      %scan3A_67 = arith.constant 1 : i32
      %scan3A_68 = arith.addi %scan3A_61, %scan3A_67 : i32
      %dma_wait3A_69 = arith.constant 0 : i32
      %dma_wait3A_70 = arith.constant 0 : i32
      %dma_wait3A_71 = tpu.memref_slice %arg5[%dma_wait3A_69, %dma_wait3A_70] : memref<3584x64xf32, #tpu.memory_space<vmem_shared>> -> memref<1x64xf32, #tpu.memory_space<vmem_shared>>
      %dma_wait3A_72 = arith.constant 0 : i32
      %dma_wait3A_73 = arith.constant 0 : i32
      %dma_wait3A_74 = tpu.memref_slice %arg1[%dma_wait3A_72, %dma_wait3A_73] : memref<1000000x64xf32, #tpu.memory_space<hbm>> -> memref<1x64xf32, #tpu.memory_space<hbm>>
      tpu.wait_dma2 semaphore(%arg6 : memref<!tpu.dma_semaphore, #tpu.memory_space<semaphore_mem>>) src(%dma_wait3A_74 : memref<1x64xf32, #tpu.memory_space<hbm>>) dst(%dma_wait3A_71 : memref<1x64xf32, #tpu.memory_space<vmem_shared>>)
      %scan3A_75 = arith.constant 2 : i32
      %scan3A_76 = arith.addi %scan3A_61, %scan3A_75 : i32
      %dma_wait3A_77 = arith.constant 0 : i32
      %dma_wait3A_78 = arith.constant 0 : i32
      %dma_wait3A_79 = tpu.memref_slice %arg5[%dma_wait3A_77, %dma_wait3A_78] : memref<3584x64xf32, #tpu.memory_space<vmem_shared>> -> memref<1x64xf32, #tpu.memory_space<vmem_shared>>
      %dma_wait3A_80 = arith.constant 0 : i32
      %dma_wait3A_81 = arith.constant 0 : i32
      %dma_wait3A_82 = tpu.memref_slice %arg1[%dma_wait3A_80, %dma_wait3A_81] : memref<1000000x64xf32, #tpu.memory_space<hbm>> -> memref<1x64xf32, #tpu.memory_space<hbm>>
      tpu.wait_dma2 semaphore(%arg6 : memref<!tpu.dma_semaphore, #tpu.memory_space<semaphore_mem>>) src(%dma_wait3A_82 : memref<1x64xf32, #tpu.memory_space<hbm>>) dst(%dma_wait3A_79 : memref<1x64xf32, #tpu.memory_space<vmem_shared>>)
      %scan3A_83 = arith.constant 3 : i32
      %scan3A_84 = arith.addi %scan3A_61, %scan3A_83 : i32
      %dma_wait3A_85 = arith.constant 0 : i32
      %dma_wait3A_86 = arith.constant 0 : i32
      %dma_wait3A_87 = tpu.memref_slice %arg5[%dma_wait3A_85, %dma_wait3A_86] : memref<3584x64xf32, #tpu.memory_space<vmem_shared>> -> memref<1x64xf32, #tpu.memory_space<vmem_shared>>
      %dma_wait3A_88 = arith.constant 0 : i32
      %dma_wait3A_89 = arith.constant 0 : i32
      %dma_wait3A_90 = tpu.memref_slice %arg1[%dma_wait3A_88, %dma_wait3A_89] : memref<1000000x64xf32, #tpu.memory_space<hbm>> -> memref<1x64xf32, #tpu.memory_space<hbm>>
      tpu.wait_dma2 semaphore(%arg6 : memref<!tpu.dma_semaphore, #tpu.memory_space<semaphore_mem>>) src(%dma_wait3A_90 : memref<1x64xf32, #tpu.memory_space<hbm>>) dst(%dma_wait3A_87 : memref<1x64xf32, #tpu.memory_space<vmem_shared>>)
      %scan3A_91 = arith.constant 4 : i32
      %scan3A_92 = arith.addi %scan3A_61, %scan3A_91 : i32
      %dma_wait3A_93 = arith.constant 0 : i32
      %dma_wait3A_94 = arith.constant 0 : i32
      %dma_wait3A_95 = tpu.memref_slice %arg5[%dma_wait3A_93, %dma_wait3A_94] : memref<3584x64xf32, #tpu.memory_space<vmem_shared>> -> memref<1x64xf32, #tpu.memory_space<vmem_shared>>
      %dma_wait3A_96 = arith.constant 0 : i32
      %dma_wait3A_97 = arith.constant 0 : i32
      %dma_wait3A_98 = tpu.memref_slice %arg1[%dma_wait3A_96, %dma_wait3A_97] : memref<1000000x64xf32, #tpu.memory_space<hbm>> -> memref<1x64xf32, #tpu.memory_space<hbm>>
      tpu.wait_dma2 semaphore(%arg6 : memref<!tpu.dma_semaphore, #tpu.memory_space<semaphore_mem>>) src(%dma_wait3A_98 : memref<1x64xf32, #tpu.memory_space<hbm>>) dst(%dma_wait3A_95 : memref<1x64xf32, #tpu.memory_space<vmem_shared>>)
      %scan3A_99 = arith.constant 5 : i32
      %scan3A_100 = arith.addi %scan3A_61, %scan3A_99 : i32
      %dma_wait3A_101 = arith.constant 0 : i32
      %dma_wait3A_102 = arith.constant 0 : i32
      %dma_wait3A_103 = tpu.memref_slice %arg5[%dma_wait3A_101, %dma_wait3A_102] : memref<3584x64xf32, #tpu.memory_space<vmem_shared>> -> memref<1x64xf32, #tpu.memory_space<vmem_shared>>
      %dma_wait3A_104 = arith.constant 0 : i32
      %dma_wait3A_105 = arith.constant 0 : i32
      %dma_wait3A_106 = tpu.memref_slice %arg1[%dma_wait3A_104, %dma_wait3A_105] : memref<1000000x64xf32, #tpu.memory_space<hbm>> -> memref<1x64xf32, #tpu.memory_space<hbm>>
      tpu.wait_dma2 semaphore(%arg6 : memref<!tpu.dma_semaphore, #tpu.memory_space<semaphore_mem>>) src(%dma_wait3A_106 : memref<1x64xf32, #tpu.memory_space<hbm>>) dst(%dma_wait3A_103 : memref<1x64xf32, #tpu.memory_space<vmem_shared>>)
      %scan3A_107 = arith.constant 6 : i32
      %scan3A_108 = arith.addi %scan3A_61, %scan3A_107 : i32
      %dma_wait3A_109 = arith.constant 0 : i32
      %dma_wait3A_110 = arith.constant 0 : i32
      %dma_wait3A_111 = tpu.memref_slice %arg5[%dma_wait3A_109, %dma_wait3A_110] : memref<3584x64xf32, #tpu.memory_space<vmem_shared>> -> memref<1x64xf32, #tpu.memory_space<vmem_shared>>
      %dma_wait3A_112 = arith.constant 0 : i32
      %dma_wait3A_113 = arith.constant 0 : i32
      %dma_wait3A_114 = tpu.memref_slice %arg1[%dma_wait3A_112, %dma_wait3A_113] : memref<1000000x64xf32, #tpu.memory_space<hbm>> -> memref<1x64xf32, #tpu.memory_space<hbm>>
      tpu.wait_dma2 semaphore(%arg6 : memref<!tpu.dma_semaphore, #tpu.memory_space<semaphore_mem>>) src(%dma_wait3A_114 : memref<1x64xf32, #tpu.memory_space<hbm>>) dst(%dma_wait3A_111 : memref<1x64xf32, #tpu.memory_space<vmem_shared>>)
      %scan3A_115 = arith.constant 7 : i32
      %scan3A_116 = arith.addi %scan3A_61, %scan3A_115 : i32
      %dma_wait3A_117 = arith.constant 0 : i32
      %dma_wait3A_118 = arith.constant 0 : i32
      %dma_wait3A_119 = tpu.memref_slice %arg5[%dma_wait3A_117, %dma_wait3A_118] : memref<3584x64xf32, #tpu.memory_space<vmem_shared>> -> memref<1x64xf32, #tpu.memory_space<vmem_shared>>
      %dma_wait3A_120 = arith.constant 0 : i32
      %dma_wait3A_121 = arith.constant 0 : i32
      %dma_wait3A_122 = tpu.memref_slice %arg1[%dma_wait3A_120, %dma_wait3A_121] : memref<1000000x64xf32, #tpu.memory_space<hbm>> -> memref<1x64xf32, #tpu.memory_space<hbm>>
      tpu.wait_dma2 semaphore(%arg6 : memref<!tpu.dma_semaphore, #tpu.memory_space<semaphore_mem>>) src(%dma_wait3A_122 : memref<1x64xf32, #tpu.memory_space<hbm>>) dst(%dma_wait3A_119 : memref<1x64xf32, #tpu.memory_space<vmem_shared>>)
    }
    %scan3A_60 = arith.constant 3584 : i32
    "tpu.region"() ({
      %run_scoped3A = tpu.sem_alloc : memref<!tpu.dma_semaphore, #tpu.memory_space<semaphore_mem>>
      %dma_start3A = arith.constant 0 : i32
      %dma_start3A_61 = tpu.memref_slice %arg3[%mul3A_0, %dma_start3A] : memref<7168x64xf32, #tpu.memory_space<hbm>> -> memref<3584x64xf32, #tpu.memory_space<hbm>>
      tpu.enqueue_dma source(%arg5 : memref<3584x64xf32, #tpu.memory_space<vmem_shared>>) target(%dma_start3A_61 : memref<3584x64xf32, #tpu.memory_space<hbm>>) target_semaphore(%run_scoped3A : memref<!tpu.dma_semaphore, #tpu.memory_space<semaphore_mem>>)
      %dma_wait3A = arith.constant 0 : i32
      %dma_wait3A_62 = tpu.memref_slice %arg3[%mul3A_0, %dma_wait3A] : memref<7168x64xf32, #tpu.memory_space<hbm>> -> memref<3584x64xf32, #tpu.memory_space<hbm>>
      tpu.wait_dma2 semaphore(%run_scoped3A : memref<!tpu.dma_semaphore, #tpu.memory_space<semaphore_mem>>) src(%arg5 : memref<3584x64xf32, #tpu.memory_space<vmem_shared>>) dst(%dma_wait3A_62 : memref<3584x64xf32, #tpu.memory_space<hbm>>)
      tpu.yield
    }) : () -> ()
    return
  }
}

module attributes {stable_mosaic.version = 14 : i64} {
  func.func @_tc_body(%arg0: i32, %arg1: memref<1024x64xf32, #tpu.memory_space<vmem>>, %arg2: memref<512x64xf32, #tpu.memory_space<vmem>>, %arg3: memref<1x1xf32, #tpu.memory_space<vmem>>) attributes {dimension_semantics = [#tpu.dimension_semantics<arbitrary>], iteration_bounds = array<i64: 12>, scalar_prefetch = 0 : i64, scratch_operands = 0 : i64, tpu.core_type = #tpu.core_type<tc>, window_params = [{transform_indices = @transform_0, window_bounds = array<i64: 1024, 64>}, {transform_indices = @transform_1, window_bounds = array<i64: 512, 64>}, {pipeline_mode = #tpu.pipeline_mode<synchronous>, transform_indices = @transform_2, window_bounds = array<i64: 1, 1>}]} {
    %get3A = arith.constant 0 : index
    %get3A_0 = arith.constant 0 : index
    %get3A_1 = vector.load %arg1[%get3A, %get3A_0] : memref<1024x64xf32, #tpu.memory_space<vmem>>, vector<1024x64xf32>
    %get3A_2 = arith.constant 0 : index
    %get3A_3 = arith.constant 0 : index
    %get3A_4 = vector.load %arg2[%get3A_2, %get3A_3] : memref<512x64xf32, #tpu.memory_space<vmem>>, vector<512x64xf32>
    %dot_general3A = arith.constant dense<0.000000e+00> : vector<1024x512xf32>
    %dot_general3A_5 = tpu.matmul %get3A_1, %get3A_4, %dot_general3A {dimension_numbers = #tpu.dot_dimension_numbers<[1], [1], [0], [0], [0, 0, 1, 0], [], []>, transpose_lhs_hint = false} : vector<1024x64xf32>, vector<512x64xf32>, vector<1024x512xf32> -> vector<1024x512xf32>
    %lt3A = arith.constant 2 : i32
    %lt3A_6 = arith.cmpi slt, %arg0, %lt3A : i32
    %jit3A = arith.constant -1.000000e+00 : f32
    %jit3A_7 = arith.constant 1.000000e+00 : f32
    %select_n3A = arith.select %lt3A_6, %jit3A, %jit3A_7 : f32
    %mul3A = vector.broadcast %select_n3A : f32 to vector<1024x512xf32>
    %mul3A_8 = arith.mulf %dot_general3A_5, %mul3A : vector<1024x512xf32>
    %max3A = arith.constant 0.000000e+00 : f32
    %max3A_9 = vector.broadcast %max3A : f32 to vector<1024x512xf32>
    %max3A_10 = arith.maximumf %mul3A_8, %max3A_9 : vector<1024x512xf32>
    %abs3A = math.absf %mul3A_8 : vector<1024x512xf32>
    %neg3A = arith.constant 0.000000e+00 : f32
    %neg3A_11 = vector.broadcast %neg3A : f32 to vector<1024x512xf32>
    %neg3A_12 = arith.subf %neg3A_11, %abs3A : vector<1024x512xf32>
    %exp3A = math.exp %neg3A_12 : vector<1024x512xf32>
    %log1p3A = math.log1p %exp3A : vector<1024x512xf32>
    %add3A = arith.addf %max3A_10, %log1p3A : vector<1024x512xf32>
    %reduce_sum3A = vector.shape_cast %add3A : vector<1024x512xf32> to vector<1x1024x512xf32>
    %reduce_sum3A_13 = arith.constant dense<0.000000e+00> : vector<1xf32>
    %reduce_sum3A_14 = vector.multi_reduction <add>, %reduce_sum3A, %reduce_sum3A_13 [1, 2] : vector<1x1024x512xf32> to vector<1xf32>
    %reduce_sum3A_15 = vector.shape_cast %reduce_sum3A_14 : vector<1xf32> to vector<1x1x1xf32>
    %reduce_sum3A_16 = vector.extract %reduce_sum3A_15[0, 0, 0] : f32 from vector<1x1x1xf32>
    %jit3A_17 = arith.constant 4.76837158E-7 : f32
    %jit3A_18 = arith.constant 9.5367433E-8 : f32
    %select_n3A_19 = arith.select %lt3A_6, %jit3A_17, %jit3A_18 : f32
    %eq3A = arith.constant 0 : i32
    %eq3A_20 = arith.cmpi eq, %arg0, %eq3A : i32
    %convert_element_type3A = arith.extui %eq3A_20 : i1 to i32
    %cond3A = arith.constant 0 : i32
    %cond3A_21 = arith.cmpi ne, %convert_element_type3A, %cond3A : i32
    scf.if %cond3A_21 {
      %broadcast_in_dim3A_29 = arith.constant 0.000000e+00 : f32
      %broadcast_in_dim3A_30 = vector.broadcast %broadcast_in_dim3A_29 : f32 to vector<1x1xf32>
      %swap3A_31 = arith.constant 0 : index
      %swap3A_32 = arith.constant 0 : index
      %swap3A_33 = vector.load %arg3[%swap3A_31, %swap3A_32] : memref<1x1xf32, #tpu.memory_space<vmem>>, vector<1x1xf32>
      tpu.vector_store %arg3[%swap3A_31, %swap3A_32], %broadcast_in_dim3A_30 {strides = array<i32>} : memref<1x1xf32, #tpu.memory_space<vmem>>, vector<1x1xf32>,
    } else {
    }
    %get3A_22 = arith.constant 0 : index
    %get3A_23 = arith.constant 0 : index
    %get3A_24 = vector.load %arg3[%get3A_22, %get3A_23] : memref<1x1xf32, #tpu.memory_space<vmem>>, vector<1x1xf32>
    %mul3A_25 = arith.mulf %reduce_sum3A_16, %select_n3A_19 : f32
    %broadcast_in_dim3A = vector.broadcast %mul3A_25 : f32 to vector<1x1xf32>
    %add3A_26 = arith.addf %get3A_24, %broadcast_in_dim3A : vector<1x1xf32>
    %swap3A = arith.constant 0 : index
    %swap3A_27 = arith.constant 0 : index
    %swap3A_28 = vector.load %arg3[%swap3A, %swap3A_27] : memref<1x1xf32, #tpu.memory_space<vmem>>, vector<1x1xf32>
    tpu.vector_store %arg3[%swap3A, %swap3A_27], %add3A_26 {strides = array<i32>} : memref<1x1xf32, #tpu.memory_space<vmem>>, vector<1x1xf32>,
    return
  }
  func.func @transform_0(%arg0: i32) -> (i32, i32) {
    %c0_i32 = arith.constant 0 : i32
    %c0_i32_0 = arith.constant 0 : i32
    %c0_i32_1 = arith.constant 0 : i32
    return %c0_i32, %c0_i32_0 : i32, i32
  }
  func.func @transform_1(%arg0: i32) -> (i32, i32) {
    %add3A = arith.constant 2 : i32
    %add3A_0 = arith.addi %arg0, %add3A : i32
    %c0_i32 = arith.constant 0 : i32
    %c0_i32_1 = arith.constant 0 : i32
    return %add3A_0, %c0_i32 : i32, i32
  }
  func.func @transform_2(%arg0: i32) -> (i32, i32) {
    %c0_i32 = arith.constant 0 : i32
    %c0_i32_0 = arith.constant 0 : i32
    %c0_i32_1 = arith.constant 0 : i32
    return %c0_i32, %c0_i32_0 : i32, i32
  }
}

</mosaic_0001>

<sc_bundles>
// kernel: kernel.4.cloned.1.call-start
scs
__scs_entry_jumppad:
0x0: {  	(pc) =	sbr.rel $0x88, $3  }
0x1: {  	(tag) =	ssettag $0x0;
	lr =	simm.s32 $0x1  }
0x2: {  	[smem:$0x3F9D] =	sst lr;
	_ =	strace $0xD0000000  }
0x3: {  	_ = 	snop  }
0x4: {  	_ = 	snop  }
0x5: {  	_ = 	snop  }
0x6: {  	_ = 	snop  }
0x7: {  	_ = 	snop  }
__scs_overlays_trampoline_lowered:
0x8: {  	[smem:$0x3FAC] =	sst s0  }
0x9: {  	[smem:$0x3FAD] =	sst s1  }
0xa: {  	[smem:$0x3FAE] =	sst s2  }
0xb: {  	[smem:$0x3FAF] =	sst s3  }
0xc: {  	[smem:$0x3FB0] =	sst s4  }
0xd: {  	[smem:$0x3FB1] =	sst s5  }
0xe: {  	[smem:$0x3FB2] =	sst s6  }
0xf: {  	[smem:$0x3FB3] =	sst s7  }
0x10: {  	[smem:$0x3FB4] =	sst s8  }
0x11: {  	[smem:$0x3FB5] =	sst s9;
	s0 =	simm.s32 @!p0 $0x0  }
0x12: {  	s1 =	sld [smem:$0x3F9B];
	s0 =	simm.s32 @p0 $0x1  }
0x13: {  	[smem:$0x3FB6] =	sst s0;
	s0 =	simm.s32 @!p1 $0x0  }
0x14: {  	s2 =	sld [smem:$0x3F9A];
	s0 =	simm.s32 @p1 $0x1  }
0x15: {  	[smem:$0x3FB7] =	sst s0;
	s0 =	simm.s32 @!p2 $0x0  }
0x16: {  	s3 =	sld [smem:$0x3FDB];
	s0 =	simm.s32 @p2 $0x1  }
0x17: {  	s4 =	simm.s32 $0x1BF5;
	[smem:$0x3FB9] =	sst s0  }
0x18: {  	s0 =	sld [smem:$0x3F9C];
	_ =	swait.ge [sflag:s4], $0x0  }
0x19: {  	s7 =	sld [smem:$0x3F9D]  }
0x1a: {  	s8 =	sadd.s32 $0xFFFFE003, lr  }
0x1b: {  	s9 =	sadd.s32 $0xFFFFFEF7, lr;
	s5 =	simm.s32 $0xFFFFFFFF;
	p2 =	slt.u32 s8, $0xFFFFF086  }
0x1c: {  	p1 =	slt.u32 s9, $0xF7A;
	s5 =	simm.s32 @!p2 $0x0  }
0x1d: {  	s5 =	simm.s32 @p1 $0x1;
	p0 =	seq.s32 s7, s2  }
0x1e: {  	s7 =	smul.u32 @!p0 $0xF7A, s2;
	p2 =	seq.s32 @!p0 s5, $0x0  }
0x1f: {  	s9 =	smul.u32 $0xF7A, s1;
	s8 =	simm.s32 @!p0 $0x1BF5;
	p2 =	por !p2, p0  }
0x20: {  	[sflag:s8] =	ssyncset.s32 @!p0 $0xFFFFF086;
	s6 =	sadd.s32 @!p0 s3, s7;
	s7 =	simm.s32 @!p0 $0x108  }
0x21: {  	s3 =	sadd.s32 s3, s9;
	s6 =	sadd.s32 @!p0 $0x88, s6;
	s7 =	simm.s32 @p2 $0x1082  }
0x22: {  	[simem:s7], [sflag:s8] =	dma.local @!p0 [hbm:s6], $0xF7A  }
0x23: {  	s9 =	sor.u32 $0xD0000000, s2;
	s6 =	simm.s32 $0x108;
	_ =	swait.ge @!p0 [sflag:s8], $0x0  }
0x24: {  	s3 =	sadd.s32 $0x88, s3;
	s6 =	simm.s32 @!p1 $0x1082;
	[sflag:s4] =	ssyncset.s32 $0xFFFFF086  }
0x25: {  	[simem:s6], [sflag:s4] =	dma.local [hbm:s3], $0xF7A  }
0x26: {  	[smem:$0x3F9D] =	sst s1;
	(tag) =	ssettag s2;
	_ =	strace s9  }
0x27: {  	s1 =	sld [smem:$0x3FAD]  }
0x28: {  	s2 =	sld [smem:$0x3FAE]  }
0x29: {  	s4 =	sld [smem:$0x3FB0]  }
0x2a: {  	p0 =	seq.s32 s5, $0x0;
	s5 =	sld [smem:$0x3FB1]  }
0x2b: {  	s6 =	sld [smem:$0x3FB2]  }
0x2c: {  	s7 =	sld [smem:$0x3FB3]  }
0x2d: {  	s3 =	simm.s32 $0x108;
	s8 =	sld [smem:$0x3FB4]  }
0x2e: {  	s3 =	simm.s32 @!p0 $0x1082;
	s9 =	sld [smem:$0x3FB5]  }
0x2f: {  	lr =	sadd.s32 s0, s3;
	s0 =	sld [smem:$0x3FAC]  }
0x30: {  	s3 =	sld [smem:$0x3FAF]  }
0x31: {  	[smem:$0x3FB8] =	sst s10  }
0x32: {  	s10 =	sld [smem:$0x3FB6];
	_ =	sdelay $0x3  }
0x33: {  	p0 =	seq.s32 s10, $0x1;
	s10 =	sld [smem:$0x3FB8];
	_ =	sdelay $0x3  }
0x34: {  	[smem:$0x3FB8] =	sst s10  }
0x35: {  	s10 =	sld [smem:$0x3FB7];
	_ =	sdelay $0x3  }
0x36: {  	p1 =	seq.s32 s10, $0x1;
	s10 =	sld [smem:$0x3FB8];
	_ =	sdelay $0x3  }
0x37: {  	[smem:$0x3FB8] =	sst s10  }
0x38: {  	s10 =	sld [smem:$0x3FB9]  }
0x39: {  	_ = 	snop;
	(pc) =	sbr.ind lr, $3  }
0x3a: {  	_ = 	snop  }
0x3b: {  	_ = 	snop  }
0x3c: {  	p2 =	seq.s32 s10, $0x1;
	s10 =	sld [smem:$0x3FB8]  }
0x3d: {  	_ =	shalt  }
0x3e: {  	_ =	shalt  }
0x3f: {  	_ =	shalt  }
0x40: {  	_ =	shalt  }
0x41: {  	_ =	shalt  }
0x42: {  	_ =	shalt  }
0x43: {  	_ =	shalt  }
0x44: {  	_ =	shalt  }
0x45: {  	_ =	shalt  }
0x46: {  	_ =	shalt  }
0x47: {  	_ =	shalt  }
0x48: {  	_ =	shalt  }
0x49: {  	_ =	shalt  }
0x4a: {  	_ =	shalt  }
0x4b: {  	_ =	shalt  }
0x4c: {  	_ =	shalt  }
0x4d: {  	_ =	shalt  }
0x4e: {  	_ =	shalt  }
0x4f: {  	_ =	shalt  }
0x50: {  	_ =	shalt  }
0x51: {  	_ =	shalt  }
0x52: {  	_ =	shalt  }
0x53: {  	_ =	shalt  }
0x54: {  	_ =	shalt  }
0x55: {  	_ =	shalt  }
0x56: {  	_ =	shalt  }
0x57: {  	_ =	shalt  }
0x58: {  	_ =	shalt  }
0x59: {  	_ =	shalt  }
0x5a: {  	_ =	shalt  }
0x5b: {  	_ =	shalt  }
0x5c: {  	_ =	shalt  }
0x5d: {  	_ =	shalt  }
0x5e: {  	_ =	shalt  }
0x5f: {  	_ =	shalt  }
0x60: {  	_ =	shalt  }
0x61: {  	_ =	shalt  }
0x62: {  	_ =	shalt  }
0x63: {  	_ =	shalt  }
0x64: {  	_ =	shalt  }
0x65: {  	_ =	shalt  }
0x66: {  	_ =	shalt  }
0x67: {  	_ =	shalt  }
0x68: {  	_ =	shalt  }
0x69: {  	_ =	shalt  }
0x6a: {  	_ =	shalt  }
0x6b: {  	_ =	shalt  }
0x6c: {  	_ =	shalt  }
0x6d: {  	_ =	shalt  }
0x6e: {  	_ =	shalt  }
0x6f: {  	_ =	shalt  }
0x70: {  	_ =	shalt  }
0x71: {  	_ =	shalt  }
0x72: {  	_ =	shalt  }
0x73: {  	_ =	shalt  }
0x74: {  	_ =	shalt  }
0x75: {  	_ =	shalt  }
0x76: {  	_ =	shalt  }
0x77: {  	_ =	shalt  }
0x78: {  	_ =	shalt  }
0x79: {  	_ =	shalt  }
0x7a: {  	_ =	shalt  }
0x7b: {  	_ =	shalt  }
0x7c: {  	_ =	shalt  }
0x7d: {  	_ =	shalt  }
0x7e: {  	_ =	shalt  }
0x7f: {  	_ =	shalt  }
0x80: {  	_ =	shalt  }
0x81: {  	_ =	shalt  }
0x82: {  	_ =	shalt  }
0x83: {  	_ =	shalt  }
0x84: {  	_ =	shalt  }
0x85: {  	_ =	shalt  }
0x86: {  	_ =	shalt  }
0x87: {  	_ =	shalt  }
.Lfunc_end0:
.L_simem_size_0:
called_computation_lowered:
.L_overlay_start_0:
0x88: {  	s2 =	sld [smem:$0x3FD9]  }
0x89: {  	s3 =	sld [smem:$0x3FFE];
	_ =	sdelay $0x1  }
0x8a: {  	s1 =	srdreg.scid  }
0x8b: {  	s0 =	sand.u32 $0x1, s1  }
0x8c: {  	s15 =	sshll.u32 s0, $0xA;
	s2 =	sadd.s32 s3, s2  }
0x8d: {  	s2 =	sadd.s32 s2, s15  }
0x8e: {  	s16 =	simm.s32 $0x0;
	[smem:$0x3FC4] =	sst s2  }
0x8f: {  	[smem:$0xF] =	sst s16  }
0x90: {  	(tm) =	ssettm $0x1  }
0x91: {  	s17 =	sld [smem:$0x3FFB];
	_ =	sdelay $0x3  }
0x92: {  	_ =	strace s17  }
0x93: {  	s2 =	sld [smem:$0x3FFC];
	_ =	sdelay $0x3  }
0x94: {  	_ =	strace s2  }
0x95: {  	s2 =	sld [smem:$0x3FFD];
	_ =	sdelay $0x3  }
0x96: {  	_ =	strace s2  }
0x97: {  	s18 =	simm.s32 $0x1B8B;
	_ =	strace $0x8FFFFFFF  }
0x98: {  	_ =	swait.ge [sflag:s18], $0x1  }
0x99: {  	s5 =	sld [smem:$0x3FFE];
	_ =	sdelay $0x1  }
0x9a: {  	[sflag:s18] =	ssyncset.done $0x0  }
0x9b: {  	s19 =	simm.s32 $0x1B8E;
	s20 =	smul.u32 $0x1C0, s0;
	[sflag:s18] =	ssyncadd.s32 $0xFFFFFFFF  }
0x9c: {  	s4 =	simm.s32 $0x10;
	[smem:$0x3FD2] =	sst s19;
	s6 =	sadd.s32 $0xF43400, s5  }
0x9d: {  	s2 =	simm.s32 $0xA;
	_ =	strace $0x80000046;
	s21 =	sadd.s32 s20, s6  }
0x9e: {  	[smem:s4], [sflag:s2] =	dma.local [hbm:s21], $0x40  }
0x9f: {  	_ =	swait.ge [sflag:s2], $0x40  }
0xa0: {  	[sflag:s2] =	ssyncset.done $0x0  }
0xa1: {  	[sflag:s2] =	ssyncadd.s32 $0xFFFFFFC0  }
0xa2: {  	s22 =	sld [smem:$0x10];
	_ =	sdelay $0x3  }
0xa3: {  	s23 =	sshll.u32 s22, $0x4  }
0xa4: {  	s3 =	sadd.s32 $0x1000, s5;
	s7 =	sand.u32 $0x1FFFFFF0, s23  }
0xa5: {  	s8 =	simm.s32 $0x0;
	s4 =	simm.s32 $0x9;
	s7 =	sadd.s32 s3, s7  }
0xa6: {  	[spmem:s8], [sflag:s4] =	dma.local [hbm:s7], $0x10  }
0xa7: {  	s7 =	sld [smem:$0x11];
	_ =	sdelay $0x3  }
0xa8: {  	s7 =	sshll.u32 s7, $0x4  }
0xa9: {  	s7 =	sand.u32 $0x1FFFFFF0, s7  }
0xaa: {  	s24 =	simm.s32 $0x10;
	s7 =	sadd.s32 s3, s7  }
0xab: {  	[spmem:s24], [sflag:s4] =	dma.local [hbm:s7], $0x10  }
0xac: {  	s7 =	sld [smem:$0x12];
	_ =	sdelay $0x3  }
0xad: {  	s7 =	sshll.u32 s7, $0x4  }
0xae: {  	s7 =	sand.u32 $0x1FFFFFF0, s7  }
0xaf: {  	s25 =	simm.s32 $0x20;
	s7 =	sadd.s32 s3, s7  }
0xb0: {  	[spmem:s25], [sflag:s4] =	dma.local [hbm:s7], $0x10  }
0xb1: {  	s7 =	sld [smem:$0x13];
	_ =	sdelay $0x3  }
0xb2: {  	s7 =	sshll.u32 s7, $0x4  }
0xb3: {  	s7 =	sand.u32 $0x1FFFFFF0, s7  }
0xb4: {  	s26 =	simm.s32 $0x30;
	s7 =	sadd.s32 s3, s7  }
0xb5: {  	[spmem:s26], [sflag:s4] =	dma.local [hbm:s7], $0x10  }
0xb6: {  	s7 =	sld [smem:$0x14];
	_ =	sdelay $0x3  }
0xb7: {  	s7 =	sshll.u32 s7, $0x4  }
0xb8: {  	s7 =	sand.u32 $0x1FFFFFF0, s7  }
0xb9: {  	s28 =	simm.s32 $0x40;
	s7 =	sadd.s32 s3, s7  }
0xba: {  	[spmem:s28], [sflag:s4] =	dma.local [hbm:s7], $0x10  }
0xbb: {  	s7 =	sld [smem:$0x15];
	_ =	sdelay $0x3  }
0xbc: {  	s7 =	sshll.u32 s7, $0x4  }
0xbd: {  	s7 =	sand.u32 $0x1FFFFFF0, s7  }
0xbe: {  	s29 =	simm.s32 $0x50;
	s7 =	sadd.s32 s3, s7  }
0xbf: {  	[spmem:s29], [sflag:s4] =	dma.local [hbm:s7], $0x10  }
0xc0: {  	s7 =	sld [smem:$0x16];
	_ =	sdelay $0x3  }
0xc1: {  	s7 =	sshll.u32 s7, $0x4  }
0xc2: {  	s7 =	sand.u32 $0x1FFFFFF0, s7  }
0xc3: {  	s30 =	simm.s32 $0x60;
	s7 =	sadd.s32 s3, s7  }
0xc4: {  	[spmem:s30], [sflag:s4] =	dma.local [hbm:s7], $0x10  }
0xc5: {  	s7 =	sld [smem:$0x17];
	_ =	sdelay $0x3  }
0xc6: {  	s5 =	sadd.s32 $0xF43800, s5;
	s31 =	sshll.u32 s7, $0x4  }
0xc7: {  	s11 =	simm.s32 $0x70;
	s8 =	simm.s32 $0x1C;
	s9 =	sand.u32 $0x1FFFFFF0, s31  }
0xc8: {  	s7 =	simm.s32 $0x0;
	s10 =	sadd.s32 s3, s9;
	s9 =	simm.s32 $0x600  }
.LBB1_1:
0xc9: {  	[spmem:s11], [sflag:s4] =	dma.local [hbm:s10], $0x10  }
0xca: {  	s7 =	sadd.s32 $0x8, s7;
	s10 =	sld [smem:s8+$0xFFFFFFFC]  }
0xcb: {  	p0 =	slt.u32 s7, $0x1F8;
	_ =	sdelay $0x2  }
0xcc: {  	s10 =	sshll.u32 s10, $0x4  }
0xcd: {  	s11 =	sadd.s32 $0xFFFFFE00, s9;
	s10 =	sand.u32 $0x1FFFFFF0, s10  }
0xce: {  	s11 =	sshrl.u32 s11, $0x3;
	s10 =	sadd.s32 s3, s10  }
0xcf: {  	[spmem:s11], [sflag:s4] =	dma.local [hbm:s10], $0x10  }
0xd0: {  	s10 =	sld [smem:s8+$0xFFFFFFFD];
	_ =	sdelay $0x3  }
0xd1: {  	s10 =	sshll.u32 s10, $0x4  }
0xd2: {  	s11 =	sadd.s32 $0xFFFFFE80, s9;
	s10 =	sand.u32 $0x1FFFFFF0, s10  }
0xd3: {  	s11 =	sshrl.u32 s11, $0x3;
	s10 =	sadd.s32 s3, s10  }
0xd4: {  	[spmem:s11], [sflag:s4] =	dma.local [hbm:s10], $0x10  }
0xd5: {  	s10 =	sld [smem:s8+$0xFFFFFFFE];
	_ =	sdelay $0x3  }
0xd6: {  	s10 =	sshll.u32 s10, $0x4  }
0xd7: {  	s11 =	sadd.s32 $0xFFFFFF00, s9;
	s10 =	sand.u32 $0x1FFFFFF0, s10  }
0xd8: {  	s11 =	sshrl.u32 s11, $0x3;
	s10 =	sadd.s32 s3, s10  }
0xd9: {  	[spmem:s11], [sflag:s4] =	dma.local [hbm:s10], $0x10  }
0xda: {  	s10 =	sld [smem:s8+$0xFFFFFFFF];
	_ =	sdelay $0x3  }
0xdb: {  	s10 =	sshll.u32 s10, $0x4  }
0xdc: {  	s11 =	sadd.s32 $0xFFFFFF80, s9;
	s10 =	sand.u32 $0x1FFFFFF0, s10  }
0xdd: {  	s11 =	sshrl.u32 s11, $0x3;
	s10 =	sadd.s32 s3, s10  }
0xde: {  	[spmem:s11], [sflag:s4] =	dma.local [hbm:s10], $0x10  }
0xdf: {  	s10 =	sld [smem:s8+$0x0];
	_ =	sdelay $0x3  }
0xe0: {  	s10 =	sshll.u32 s10, $0x4  }
0xe1: {  	s10 =	sand.u32 $0x1FFFFFF0, s10  }
0xe2: {  	s11 =	sshrl.u32 s9, $0x3;
	s10 =	sadd.s32 s3, s10  }
0xe3: {  	[spmem:s11], [sflag:s4] =	dma.local [hbm:s10], $0x10  }
0xe4: {  	s10 =	sld [smem:s8+$0x1];
	_ =	sdelay $0x3  }
0xe5: {  	s10 =	sshll.u32 s10, $0x4  }
0xe6: {  	s11 =	sadd.s32 $0x80, s9;
	s10 =	sand.u32 $0x1FFFFFF0, s10  }
0xe7: {  	s11 =	sshrl.u32 s11, $0x3;
	s10 =	sadd.s32 s3, s10  }
0xe8: {  	[spmem:s11], [sflag:s4] =	dma.local [hbm:s10], $0x10  }
0xe9: {  	s10 =	sld [smem:s8+$0x2];
	_ =	sdelay $0x3  }
0xea: {  	s10 =	sshll.u32 s10, $0x4  }
0xeb: {  	s11 =	sadd.s32 $0x100, s9;
	s10 =	sand.u32 $0x1FFFFFF0, s10  }
0xec: {  	s11 =	sshrl.u32 s11, $0x3;
	s10 =	sadd.s32 s3, s10  }
0xed: {  	[spmem:s11], [sflag:s4] =	dma.local [hbm:s10], $0x10  }
0xee: {  	s10 =	sld [smem:s8+$0x3];
	_ =	sdelay $0x2  }
.Ltmp0:
0xef: {  	(pc) =	sbr.rel @p0 .LBB1_1-.Ltmp0, $3  }
0xf0: {  	s10 =	sshll.u32 s10, $0x4  }
0xf1: {  	s11 =	sadd.s32 $0x180, s9;
	s8 =	sadd.s32 $0x8, s8;
	s10 =	sand.u32 $0x1FFFFFF0, s10  }
0xf2: {  	s9 =	sadd.s32 $0x400, s9;
	s11 =	sshrl.u32 s11, $0x3;
	s10 =	sadd.s32 s3, s10  }
0xf3: {  	s7 =	smul.u32 $0xE00, s0  }
0xf4: {  	[spmem:s11], [sflag:s4] =	dma.local [hbm:s10], $0x10  }
0xf5: {  	s7 =	sshrl.u32 s7, $0x3  }
0xf6: {  	s6 =	sadd.s32 s6, s7  }
0xf7: {  	s8 =	simm.s32 $0x10;
	s22 =	simm.s32 $0xA;
	s7 =	sadd.s32 $0x40, s6  }
0xf8: {  	[smem:s8], [sflag:s2] =	dma.local [hbm:s7], $0x40  }
0xf9: {  	_ =	swait.ge [sflag:s22], $0x40  }
0xfa: {  	[sflag:s22] =	ssyncset.done $0x0  }
0xfb: {  	[sflag:s22] =	ssyncadd.s32 $0xFFFFFFC0  }
0xfc: {  	s7 =	sld [smem:$0x10];
	_ =	sdelay $0x3  }
0xfd: {  	s7 =	sshll.u32 s7, $0x4  }
0xfe: {  	s7 =	sand.u32 $0x1FFFFFF0, s7  }
0xff: {  	s23 =	simm.s32 $0x2000;
	s7 =	sadd.s32 s3, s7  }
0x100: {  	[spmem:s23], [sflag:s4] =	dma.local [hbm:s7], $0x10  }
0x101: {  	s7 =	sld [smem:$0x11];
	_ =	sdelay $0x3  }
0x102: {  	s7 =	sshll.u32 s7, $0x4  }
0x103: {  	s7 =	sand.u32 $0x1FFFFFF0, s7  }
0x104: {  	s24 =	simm.s32 $0x2010;
	s7 =	sadd.s32 s3, s7  }
0x105: {  	[spmem:s24], [sflag:s4] =	dma.local [hbm:s7], $0x10  }
0x106: {  	s7 =	sld [smem:$0x12];
	_ =	sdelay $0x3  }
0x107: {  	s7 =	sshll.u32 s7, $0x4  }
0x108: {  	s7 =	sand.u32 $0x1FFFFFF0, s7  }
0x109: {  	s25 =	simm.s32 $0x2020;
	s7 =	sadd.s32 s3, s7  }
0x10a: {  	[spmem:s25], [sflag:s4] =	dma.local [hbm:s7], $0x10  }
0x10b: {  	s7 =	sld [smem:$0x13];
	_ =	sdelay $0x3  }
0x10c: {  	s7 =	sshll.u32 s7, $0x4  }
0x10d: {  	s7 =	sand.u32 $0x1FFFFFF0, s7  }
0x10e: {  	s26 =	simm.s32 $0x2030;
	s7 =	sadd.s32 s3, s7  }
0x10f: {  	[spmem:s26], [sflag:s4] =	dma.local [hbm:s7], $0x10  }
0x110: {  	s7 =	sld [smem:$0x14];
	_ =	sdelay $0x3  }
0x111: {  	s7 =	sshll.u32 s7, $0x4  }
0x112: {  	s7 =	sand.u32 $0x1FFFFFF0, s7  }
0x113: {  	s28 =	simm.s32 $0x2040;
	s7 =	sadd.s32 s3, s7  }
0x114: {  	[spmem:s28], [sflag:s4] =	dma.local [hbm:s7], $0x10  }
0x115: {  	s7 =	sld [smem:$0x15];
	_ =	sdelay $0x3  }
0x116: {  	s7 =	sshll.u32 s7, $0x4  }
0x117: {  	s7 =	sand.u32 $0x1FFFFFF0, s7  }
0x118: {  	s29 =	simm.s32 $0x2050;
	s7 =	sadd.s32 s3, s7  }
0x119: {  	[spmem:s29], [sflag:s4] =	dma.local [hbm:s7], $0x10  }
0x11a: {  	s7 =	sld [smem:$0x16];
	_ =	sdelay $0x3  }
0x11b: {  	s7 =	sshll.u32 s7, $0x4  }
0x11c: {  	s7 =	sand.u32 $0x1FFFFFF0, s7  }
0x11d: {  	s30 =	simm.s32 $0x2060;
	s7 =	sadd.s32 s3, s7  }
0x11e: {  	[spmem:s30], [sflag:s4] =	dma.local [hbm:s7], $0x10  }
0x11f: {  	s7 =	sld [smem:$0x17];
	_ =	sdelay $0x3  }
0x120: {  	s31 =	sshll.u32 s7, $0x4  }
0x121: {  	s11 =	simm.s32 $0x2070;
	s8 =	simm.s32 $0x1C;
	s9 =	sand.u32 $0x1FFFFFF0, s31  }
0x122: {  	s7 =	simm.s32 $0x0;
	s10 =	sadd.s32 s3, s9;
	s9 =	simm.s32 $0x10780  }
.LBB1_3:
0x123: {  	[spmem:s11], [sflag:s4] =	dma.local [hbm:s10], $0x10  }
0x124: {  	s7 =	sadd.s32 $0x8, s7;
	s10 =	sld [smem:s8+$0xFFFFFFFC]  }
0x125: {  	p0 =	slt.u32 s7, $0x1F8;
	_ =	sdelay $0x2  }
0x126: {  	s10 =	sshll.u32 s10, $0x4  }
0x127: {  	s11 =	sadd.s32 $0xFFFFFC80, s9;
	s10 =	sand.u32 $0x1FFFFFF0, s10  }
0x128: {  	s11 =	sshrl.u32 s11, $0x3;
	s10 =	sadd.s32 s3, s10  }
0x129: {  	[spmem:s11], [sflag:s4] =	dma.local [hbm:s10], $0x10  }
0x12a: {  	s10 =	sld [smem:s8+$0xFFFFFFFD];
	_ =	sdelay $0x3  }
0x12b: {  	s10 =	sshll.u32 s10, $0x4  }
0x12c: {  	s11 =	sadd.s32 $0xFFFFFD00, s9;
	s10 =	sand.u32 $0x1FFFFFF0, s10  }
0x12d: {  	s11 =	sshrl.u32 s11, $0x3;
	s10 =	sadd.s32 s3, s10  }
0x12e: {  	[spmem:s11], [sflag:s4] =	dma.local [hbm:s10], $0x10  }
0x12f: {  	s10 =	sld [smem:s8+$0xFFFFFFFE];
	_ =	sdelay $0x3  }
0x130: {  	s10 =	sshll.u32 s10, $0x4  }
0x131: {  	s11 =	sadd.s32 $0xFFFFFD80, s9;
	s10 =	sand.u32 $0x1FFFFFF0, s10  }
0x132: {  	s11 =	sshrl.u32 s11, $0x3;
	s10 =	sadd.s32 s3, s10  }
0x133: {  	[spmem:s11], [sflag:s4] =	dma.local [hbm:s10], $0x10  }
0x134: {  	s10 =	sld [smem:s8+$0xFFFFFFFF];
	_ =	sdelay $0x3  }
0x135: {  	s10 =	sshll.u32 s10, $0x4  }
0x136: {  	s11 =	sadd.s32 $0xFFFFFE00, s9;
	s10 =	sand.u32 $0x1FFFFFF0, s10  }
0x137: {  	s11 =	sshrl.u32 s11, $0x3;
	s10 =	sadd.s32 s3, s10  }
0x138: {  	[spmem:s11], [sflag:s4] =	dma.local [hbm:s10], $0x10  }
0x139: {  	s10 =	sld [smem:s8+$0x0];
	_ =	sdelay $0x3  }
0x13a: {  	s10 =	sshll.u32 s10, $0x4  }
0x13b: {  	s11 =	sadd.s32 $0xFFFFFE80, s9;
	s10 =	sand.u32 $0x1FFFFFF0, s10  }
0x13c: {  	s11 =	sshrl.u32 s11, $0x3;
	s10 =	sadd.s32 s3, s10  }
0x13d: {  	[spmem:s11], [sflag:s4] =	dma.local [hbm:s10], $0x10  }
0x13e: {  	s10 =	sld [smem:s8+$0x1];
	_ =	sdelay $0x3  }
0x13f: {  	s10 =	sshll.u32 s10, $0x4  }
0x140: {  	s11 =	sadd.s32 $0xFFFFFF00, s9;
	s10 =	sand.u32 $0x1FFFFFF0, s10  }
0x141: {  	s11 =	sshrl.u32 s11, $0x3;
	s10 =	sadd.s32 s3, s10  }
0x142: {  	[spmem:s11], [sflag:s4] =	dma.local [hbm:s10], $0x10  }
0x143: {  	s10 =	sld [smem:s8+$0x2];
	_ =	sdelay $0x3  }
0x144: {  	s10 =	sshll.u32 s10, $0x4  }
0x145: {  	s11 =	sadd.s32 $0xFFFFFF80, s9;
	s10 =	sand.u32 $0x1FFFFFF0, s10  }
0x146: {  	s11 =	sshrl.u32 s11, $0x3;
	s10 =	sadd.s32 s3, s10  }
0x147: {  	[spmem:s11], [sflag:s4] =	dma.local [hbm:s10], $0x10  }
0x148: {  	s10 =	sld [smem:s8+$0x3];
	_ =	sdelay $0x2  }
.Ltmp1:
0x149: {  	(pc) =	sbr.rel @p0 .LBB1_3-.Ltmp1, $3  }
0x14a: {  	s10 =	sshll.u32 s10, $0x4  }
0x14b: {  	s8 =	sadd.s32 $0x8, s8;
	s10 =	sand.u32 $0x1FFFFFF0, s10  }
0x14c: {  	s11 =	sshrl.u32 s9, $0x3;
	s9 =	sadd.s32 $0x400, s9;
	s10 =	sadd.s32 s3, s10  }
0x14d: {  	[spmem:s11], [sflag:s4] =	dma.local [hbm:s10], $0x10  }
0x14e: {  	s7 =	sadd.s32 $0x80, s6;
	s8 =	simm.s32 $0x10;
	s22 =	simm.s32 $0xA  }
0x14f: {  	[smem:s8], [sflag:s2] =	dma.local [hbm:s7], $0x40  }
0x150: {  	_ =	swait.ge [sflag:s22], $0x40  }
0x151: {  	[sflag:s22] =	ssyncset.done $0x0  }
0x152: {  	[sflag:s22] =	ssyncadd.s32 $0xFFFFFFC0  }
0x153: {  	s7 =	sld [smem:$0x10];
	_ =	sdelay $0x3  }
0x154: {  	s7 =	sshll.u32 s7, $0x4  }
0x155: {  	s7 =	sand.u32 $0x1FFFFFF0, s7  }
0x156: {  	s23 =	simm.s32 $0x4000;
	s7 =	sadd.s32 s3, s7  }
0x157: {  	[spmem:s23], [sflag:s4] =	dma.local [hbm:s7], $0x10  }
0x158: {  	s7 =	sld [smem:$0x11];
	_ =	sdelay $0x3  }
0x159: {  	s7 =	sshll.u32 s7, $0x4  }
0x15a: {  	s7 =	sand.u32 $0x1FFFFFF0, s7  }
0x15b: {  	s24 =	simm.s32 $0x4010;
	s7 =	sadd.s32 s3, s7  }
0x15c: {  	[spmem:s24], [sflag:s4] =	dma.local [hbm:s7], $0x10  }
0x15d: {  	s7 =	sld [smem:$0x12];
	_ =	sdelay $0x3  }
0x15e: {  	s7 =	sshll.u32 s7, $0x4  }
0x15f: {  	s7 =	sand.u32 $0x1FFFFFF0, s7  }
0x160: {  	s25 =	simm.s32 $0x4020;
	s7 =	sadd.s32 s3, s7  }
0x161: {  	[spmem:s25], [sflag:s4] =	dma.local [hbm:s7], $0x10  }
0x162: {  	s7 =	sld [smem:$0x13];
	_ =	sdelay $0x3  }
0x163: {  	s7 =	sshll.u32 s7, $0x4  }
0x164: {  	s7 =	sand.u32 $0x1FFFFFF0, s7  }
0x165: {  	s26 =	simm.s32 $0x4030;
	s7 =	sadd.s32 s3, s7  }
0x166: {  	[spmem:s26], [sflag:s4] =	dma.local [hbm:s7], $0x10  }
0x167: {  	s7 =	sld [smem:$0x14];
	_ =	sdelay $0x3  }
0x168: {  	s7 =	sshll.u32 s7, $0x4  }
0x169: {  	s7 =	sand.u32 $0x1FFFFFF0, s7  }
0x16a: {  	s28 =	simm.s32 $0x4040;
	s7 =	sadd.s32 s3, s7  }
0x16b: {  	[spmem:s28], [sflag:s4] =	dma.local [hbm:s7], $0x10  }
0x16c: {  	s7 =	sld [smem:$0x15];
	_ =	sdelay $0x3  }
0x16d: {  	s7 =	sshll.u32 s7, $0x4  }
0x16e: {  	s7 =	sand.u32 $0x1FFFFFF0, s7  }
0x16f: {  	s29 =	simm.s32 $0x4050;
	s7 =	sadd.s32 s3, s7  }
0x170: {  	[spmem:s29], [sflag:s4] =	dma.local [hbm:s7], $0x10  }
0x171: {  	s7 =	sld [smem:$0x16];
	_ =	sdelay $0x3  }
0x172: {  	s7 =	sshll.u32 s7, $0x4  }
0x173: {  	s7 =	sand.u32 $0x1FFFFFF0, s7  }
0x174: {  	s30 =	simm.s32 $0x4060;
	s7 =	sadd.s32 s3, s7  }
0x175: {  	[spmem:s30], [sflag:s4] =	dma.local [hbm:s7], $0x10  }
0x176: {  	s7 =	sld [smem:$0x17];
	_ =	sdelay $0x3  }
0x177: {  	s31 =	sshll.u32 s7, $0x4  }
0x178: {  	s11 =	simm.s32 $0x4070;
	s8 =	simm.s32 $0x1C;
	s9 =	sand.u32 $0x1FFFFFF0, s31  }
0x179: {  	s7 =	simm.s32 $0x0;
	s10 =	sadd.s32 s3, s9;
	s9 =	simm.s32 $0x20780  }
.LBB1_5:
0x17a: {  	[spmem:s11], [sflag:s4] =	dma.local [hbm:s10], $0x10  }
0x17b: {  	s7 =	sadd.s32 $0x8, s7;
	s10 =	sld [smem:s8+$0xFFFFFFFC]  }
0x17c: {  	p0 =	slt.u32 s7, $0x1F8;
	_ =	sdelay $0x2  }
0x17d: {  	s10 =	sshll.u32 s10, $0x4  }
0x17e: {  	s11 =	sadd.s32 $0xFFFFFC80, s9;
	s10 =	sand.u32 $0x1FFFFFF0, s10  }
0x17f: {  	s11 =	sshrl.u32 s11, $0x3;
	s10 =	sadd.s32 s3, s10  }
0x180: {  	[spmem:s11], [sflag:s4] =	dma.local [hbm:s10], $0x10  }
0x181: {  	s10 =	sld [smem:s8+$0xFFFFFFFD];
	_ =	sdelay $0x3  }
0x182: {  	s10 =	sshll.u32 s10, $0x4  }
0x183: {  	s11 =	sadd.s32 $0xFFFFFD00, s9;
	s10 =	sand.u32 $0x1FFFFFF0, s10  }
0x184: {  	s11 =	sshrl.u32 s11, $0x3;
	s10 =	sadd.s32 s3, s10  }
0x185: {  	[spmem:s11], [sflag:s4] =	dma.local [hbm:s10], $0x10  }
0x186: {  	s10 =	sld [smem:s8+$0xFFFFFFFE];
	_ =	sdelay $0x3  }
0x187: {  	s10 =	sshll.u32 s10, $0x4  }
0x188: {  	s11 =	sadd.s32 $0xFFFFFD80, s9;
	s10 =	sand.u32 $0x1FFFFFF0, s10  }
0x189: {  	s11 =	sshrl.u32 s11, $0x3;
	s10 =	sadd.s32 s3, s10  }
0x18a: {  	[spmem:s11], [sflag:s4] =	dma.local [hbm:s10], $0x10  }
0x18b: {  	s10 =	sld [smem:s8+$0xFFFFFFFF];
	_ =	sdelay $0x3  }
0x18c: {  	s10 =	sshll.u32 s10, $0x4  }
0x18d: {  	s11 =	sadd.s32 $0xFFFFFE00, s9;
	s10 =	sand.u32 $0x1FFFFFF0, s10  }
0x18e: {  	s11 =	sshrl.u32 s11, $0x3;
	s10 =	sadd.s32 s3, s10  }
0x18f: {  	[spmem:s11], [sflag:s4] =	dma.local [hbm:s10], $0x10  }
0x190: {  	s10 =	sld [smem:s8+$0x0];
	_ =	sdelay $0x3  }
0x191: {  	s10 =	sshll.u32 s10, $0x4  }
0x192: {  	s11 =	sadd.s32 $0xFFFFFE80, s9;
	s10 =	sand.u32 $0x1FFFFFF0, s10  }
0x193: {  	s11 =	sshrl.u32 s11, $0x3;
	s10 =	sadd.s32 s3, s10  }
0x194: {  	[spmem:s11], [sflag:s4] =	dma.local [hbm:s10], $0x10  }
0x195: {  	s10 =	sld [smem:s8+$0x1];
	_ =	sdelay $0x3  }
0x196: {  	s10 =	sshll.u32 s10, $0x4  }
0x197: {  	s11 =	sadd.s32 $0xFFFFFF00, s9;
	s10 =	sand.u32 $0x1FFFFFF0, s10  }
0x198: {  	s11 =	sshrl.u32 s11, $0x3;
	s10 =	sadd.s32 s3, s10  }
0x199: {  	[spmem:s11], [sflag:s4] =	dma.local [hbm:s10], $0x10  }
0x19a: {  	s10 =	sld [smem:s8+$0x2];
	_ =	sdelay $0x3  }
0x19b: {  	s10 =	sshll.u32 s10, $0x4  }
0x19c: {  	s11 =	sadd.s32 $0xFFFFFF80, s9;
	s10 =	sand.u32 $0x1FFFFFF0, s10  }
0x19d: {  	s11 =	sshrl.u32 s11, $0x3;
	s10 =	sadd.s32 s3, s10  }
0x19e: {  	[spmem:s11], [sflag:s4] =	dma.local [hbm:s10], $0x10  }
0x19f: {  	s10 =	sld [smem:s8+$0x3];
	_ =	sdelay $0x2  }
.Ltmp2:
0x1a0: {  	(pc) =	sbr.rel @p0 .LBB1_5-.Ltmp2, $3  }
0x1a1: {  	s10 =	sshll.u32 s10, $0x4  }
0x1a2: {  	s8 =	sadd.s32 $0x8, s8;
	s10 =	sand.u32 $0x1FFFFFF0, s10  }
0x1a3: {  	s11 =	sshrl.u32 s9, $0x3;
	s9 =	sadd.s32 $0x400, s9;
	s10 =	sadd.s32 s3, s10  }
0x1a4: {  	[spmem:s11], [sflag:s4] =	dma.local [hbm:s10], $0x10  }
0x1a5: {  	s7 =	sadd.s32 $0xC0, s6;
	s8 =	simm.s32 $0x10;
	s22 =	simm.s32 $0xA  }
0x1a6: {  	[smem:s8], [sflag:s2] =	dma.local [hbm:s7], $0x40  }
0x1a7: {  	_ =	swait.ge [sflag:s22], $0x40  }
0x1a8: {  	[sflag:s22] =	ssyncset.done $0x0  }
0x1a9: {  	[sflag:s22] =	ssyncadd.s32 $0xFFFFFFC0  }
0x1aa: {  	s7 =	sld [smem:$0x10];
	_ =	sdelay $0x3  }
0x1ab: {  	s7 =	sshll.u32 s7, $0x4  }
0x1ac: {  	s7 =	sand.u32 $0x1FFFFFF0, s7  }
0x1ad: {  	s23 =	simm.s32 $0x6000;
	s7 =	sadd.s32 s3, s7  }
0x1ae: {  	[spmem:s23], [sflag:s4] =	dma.local [hbm:s7], $0x10  }
0x1af: {  	s7 =	sld [smem:$0x11];
	_ =	sdelay $0x3  }
0x1b0: {  	s7 =	sshll.u32 s7, $0x4  }
0x1b1: {  	s7 =	sand.u32 $0x1FFFFFF0, s7  }
0x1b2: {  	s24 =	simm.s32 $0x6010;
	s7 =	sadd.s32 s3, s7  }
0x1b3: {  	[spmem:s24], [sflag:s4] =	dma.local [hbm:s7], $0x10  }
0x1b4: {  	s7 =	sld [smem:$0x12];
	_ =	sdelay $0x3  }
0x1b5: {  	s7 =	sshll.u32 s7, $0x4  }
0x1b6: {  	s7 =	sand.u32 $0x1FFFFFF0, s7  }
0x1b7: {  	s25 =	simm.s32 $0x6020;
	s7 =	sadd.s32 s3, s7  }
0x1b8: {  	[spmem:s25], [sflag:s4] =	dma.local [hbm:s7], $0x10  }
0x1b9: {  	s7 =	sld [smem:$0x13];
	_ =	sdelay $0x3  }
0x1ba: {  	s7 =	sshll.u32 s7, $0x4  }
0x1bb: {  	s7 =	sand.u32 $0x1FFFFFF0, s7  }
0x1bc: {  	s26 =	simm.s32 $0x6030;
	s7 =	sadd.s32 s3, s7  }
0x1bd: {  	[spmem:s26], [sflag:s4] =	dma.local [hbm:s7], $0x10  }
0x1be: {  	s7 =	sld [smem:$0x14];
	_ =	sdelay $0x3  }
0x1bf: {  	s7 =	sshll.u32 s7, $0x4  }
0x1c0: {  	s7 =	sand.u32 $0x1FFFFFF0, s7  }
0x1c1: {  	s28 =	simm.s32 $0x6040;
	s7 =	sadd.s32 s3, s7  }
0x1c2: {  	[spmem:s28], [sflag:s4] =	dma.local [hbm:s7], $0x10  }
0x1c3: {  	s7 =	sld [smem:$0x15];
	_ =	sdelay $0x3  }
0x1c4: {  	s7 =	sshll.u32 s7, $0x4  }
0x1c5: {  	s7 =	sand.u32 $0x1FFFFFF0, s7  }
0x1c6: {  	s29 =	simm.s32 $0x6050;
	s7 =	sadd.s32 s3, s7  }
0x1c7: {  	[spmem:s29], [sflag:s4] =	dma.local [hbm:s7], $0x10  }
0x1c8: {  	s7 =	sld [smem:$0x16];
	_ =	sdelay $0x3  }
0x1c9: {  	s7 =	sshll.u32 s7, $0x4  }
0x1ca: {  	s7 =	sand.u32 $0x1FFFFFF0, s7  }
0x1cb: {  	s30 =	simm.s32 $0x6060;
	s7 =	sadd.s32 s3, s7  }
0x1cc: {  	[spmem:s30], [sflag:s4] =	dma.local [hbm:s7], $0x10  }
0x1cd: {  	s7 =	sld [smem:$0x17];
	_ =	sdelay $0x3  }
0x1ce: {  	s31 =	sshll.u32 s7, $0x4  }
0x1cf: {  	s11 =	simm.s32 $0x6070;
	s8 =	simm.s32 $0x1C;
	s9 =	sand.u32 $0x1FFFFFF0, s31  }
0x1d0: {  	s7 =	simm.s32 $0x0;
	s10 =	sadd.s32 s3, s9;
	s9 =	simm.s32 $0x30780  }
.LBB1_7:
0x1d1: {  	[spmem:s11], [sflag:s4] =	dma.local [hbm:s10], $0x10  }
0x1d2: {  	s7 =	sadd.s32 $0x8, s7;
	s10 =	sld [smem:s8+$0xFFFFFFFC]  }
0x1d3: {  	p0 =	slt.u32 s7, $0x1F8;
	_ =	sdelay $0x2  }
0x1d4: {  	s10 =	sshll.u32 s10, $0x4  }
0x1d5: {  	s11 =	sadd.s32 $0xFFFFFC80, s9;
	s10 =	sand.u32 $0x1FFFFFF0, s10  }
0x1d6: {  	s11 =	sshrl.u32 s11, $0x3;
	s10 =	sadd.s32 s3, s10  }
0x1d7: {  	[spmem:s11], [sflag:s4] =	dma.local [hbm:s10], $0x10  }
0x1d8: {  	s10 =	sld [smem:s8+$0xFFFFFFFD];
	_ =	sdelay $0x3  }
0x1d9: {  	s10 =	sshll.u32 s10, $0x4  }
0x1da: {  	s11 =	sadd.s32 $0xFFFFFD00, s9;
	s10 =	sand.u32 $0x1FFFFFF0, s10  }
0x1db: {  	s11 =	sshrl.u32 s11, $0x3;
	s10 =	sadd.s32 s3, s10  }
0x1dc: {  	[spmem:s11], [sflag:s4] =	dma.local [hbm:s10], $0x10  }
0x1dd: {  	s10 =	sld [smem:s8+$0xFFFFFFFE];
	_ =	sdelay $0x3  }
0x1de: {  	s10 =	sshll.u32 s10, $0x4  }
0x1df: {  	s11 =	sadd.s32 $0xFFFFFD80, s9;
	s10 =	sand.u32 $0x1FFFFFF0, s10  }
0x1e0: {  	s11 =	sshrl.u32 s11, $0x3;
	s10 =	sadd.s32 s3, s10  }
0x1e1: {  	[spmem:s11], [sflag:s4] =	dma.local [hbm:s10], $0x10  }
0x1e2: {  	s10 =	sld [smem:s8+$0xFFFFFFFF];
	_ =	sdelay $0x3  }
0x1e3: {  	s10 =	sshll.u32 s10, $0x4  }
0x1e4: {  	s11 =	sadd.s32 $0xFFFFFE00, s9;
	s10 =	sand.u32 $0x1FFFFFF0, s10  }
0x1e5: {  	s11 =	sshrl.u32 s11, $0x3;
	s10 =	sadd.s32 s3, s10  }
0x1e6: {  	[spmem:s11], [sflag:s4] =	dma.local [hbm:s10], $0x10  }
0x1e7: {  	s10 =	sld [smem:s8+$0x0];
	_ =	sdelay $0x3  }
0x1e8: {  	s10 =	sshll.u32 s10, $0x4  }
0x1e9: {  	s11 =	sadd.s32 $0xFFFFFE80, s9;
	s10 =	sand.u32 $0x1FFFFFF0, s10  }
0x1ea: {  	s11 =	sshrl.u32 s11, $0x3;
	s10 =	sadd.s32 s3, s10  }
0x1eb: {  	[spmem:s11], [sflag:s4] =	dma.local [hbm:s10], $0x10  }
0x1ec: {  	s10 =	sld [smem:s8+$0x1];
	_ =	sdelay $0x3  }
0x1ed: {  	s10 =	sshll.u32 s10, $0x4  }
0x1ee: {  	s11 =	sadd.s32 $0xFFFFFF00, s9;
	s10 =	sand.u32 $0x1FFFFFF0, s10  }
0x1ef: {  	s11 =	sshrl.u32 s11, $0x3;
	s10 =	sadd.s32 s3, s10  }
0x1f0: {  	[spmem:s11], [sflag:s4] =	dma.local [hbm:s10], $0x10  }
0x1f1: {  	s10 =	sld [smem:s8+$0x2];
	_ =	sdelay $0x3  }
0x1f2: {  	s10 =	sshll.u32 s10, $0x4  }
0x1f3: {  	s11 =	sadd.s32 $0xFFFFFF80, s9;
	s10 =	sand.u32 $0x1FFFFFF0, s10  }
0x1f4: {  	s11 =	sshrl.u32 s11, $0x3;
	s10 =	sadd.s32 s3, s10  }
0x1f5: {  	[spmem:s11], [sflag:s4] =	dma.local [hbm:s10], $0x10  }
0x1f6: {  	s10 =	sld [smem:s8+$0x3];
	_ =	sdelay $0x2  }
.Ltmp3:
0x1f7: {  	(pc) =	sbr.rel @p0 .LBB1_7-.Ltmp3, $3  }
0x1f8: {  	s10 =	sshll.u32 s10, $0x4  }
0x1f9: {  	s8 =	sadd.s32 $0x8, s8;
	s10 =	sand.u32 $0x1FFFFFF0, s10  }
0x1fa: {  	s11 =	sshrl.u32 s9, $0x3;
	s9 =	sadd.s32 $0x400, s9;
	s10 =	sadd.s32 s3, s10  }
0x1fb: {  	[spmem:s11], [sflag:s4] =	dma.local [hbm:s10], $0x10  }
0x1fc: {  	s7 =	sadd.s32 $0x100, s6;
	s8 =	simm.s32 $0x10;
	s22 =	simm.s32 $0xA  }
0x1fd: {  	[smem:s8], [sflag:s2] =	dma.local [hbm:s7], $0x40  }
0x1fe: {  	_ =	swait.ge [sflag:s22], $0x40  }
0x1ff: {  	[sflag:s22] =	ssyncset.done $0x0  }
0x200: {  	[sflag:s22] =	ssyncadd.s32 $0xFFFFFFC0  }
0x201: {  	s7 =	sld [smem:$0x10];
	_ =	sdelay $0x3  }
0x202: {  	s7 =	sshll.u32 s7, $0x4  }
0x203: {  	s7 =	sand.u32 $0x1FFFFFF0, s7  }
0x204: {  	s23 =	simm.s32 $0x8000;
	s7 =	sadd.s32 s3, s7  }
0x205: {  	[spmem:s23], [sflag:s4] =	dma.local [hbm:s7], $0x10  }
0x206: {  	s7 =	sld [smem:$0x11];
	_ =	sdelay $0x3  }
0x207: {  	s7 =	sshll.u32 s7, $0x4  }
0x208: {  	s7 =	sand.u32 $0x1FFFFFF0, s7  }
0x209: {  	s24 =	simm.s32 $0x8010;
	s7 =	sadd.s32 s3, s7  }
0x20a: {  	[spmem:s24], [sflag:s4] =	dma.local [hbm:s7], $0x10  }
0x20b: {  	s7 =	sld [smem:$0x12];
	_ =	sdelay $0x3  }
0x20c: {  	s7 =	sshll.u32 s7, $0x4  }
0x20d: {  	s7 =	sand.u32 $0x1FFFFFF0, s7  }
0x20e: {  	s25 =	simm.s32 $0x8020;
	s7 =	sadd.s32 s3, s7  }
0x20f: {  	[spmem:s25], [sflag:s4] =	dma.local [hbm:s7], $0x10  }
0x210: {  	s7 =	sld [smem:$0x13];
	_ =	sdelay $0x3  }
0x211: {  	s7 =	sshll.u32 s7, $0x4  }
0x212: {  	s7 =	sand.u32 $0x1FFFFFF0, s7  }
0x213: {  	s26 =	simm.s32 $0x8030;
	s7 =	sadd.s32 s3, s7  }
0x214: {  	[spmem:s26], [sflag:s4] =	dma.local [hbm:s7], $0x10  }
0x215: {  	s7 =	sld [smem:$0x14];
	_ =	sdelay $0x3  }
0x216: {  	s7 =	sshll.u32 s7, $0x4  }
0x217: {  	s7 =	sand.u32 $0x1FFFFFF0, s7  }
0x218: {  	s28 =	simm.s32 $0x8040;
	s7 =	sadd.s32 s3, s7  }
0x219: {  	[spmem:s28], [sflag:s4] =	dma.local [hbm:s7], $0x10  }
0x21a: {  	s7 =	sld [smem:$0x15];
	_ =	sdelay $0x3  }
0x21b: {  	s7 =	sshll.u32 s7, $0x4  }
0x21c: {  	s7 =	sand.u32 $0x1FFFFFF0, s7  }
0x21d: {  	s29 =	simm.s32 $0x8050;
	s7 =	sadd.s32 s3, s7  }
0x21e: {  	[spmem:s29], [sflag:s4] =	dma.local [hbm:s7], $0x10  }
0x21f: {  	s7 =	sld [smem:$0x16];
	_ =	sdelay $0x3  }
0x220: {  	s7 =	sshll.u32 s7, $0x4  }
0x221: {  	s7 =	sand.u32 $0x1FFFFFF0, s7  }
0x222: {  	s30 =	simm.s32 $0x8060;
	s7 =	sadd.s32 s3, s7  }
0x223: {  	[spmem:s30], [sflag:s4] =	dma.local [hbm:s7], $0x10  }
0x224: {  	s7 =	sld [smem:$0x17];
	_ =	sdelay $0x3  }
0x225: {  	s31 =	sshll.u32 s7, $0x4  }
0x226: {  	s11 =	simm.s32 $0x8070;
	s8 =	simm.s32 $0x1C;
	s9 =	sand.u32 $0x1FFFFFF0, s31  }
0x227: {  	s7 =	simm.s32 $0x0;
	s10 =	sadd.s32 s3, s9;
	s9 =	simm.s32 $0x40780  }
.LBB1_9:
0x228: {  	[spmem:s11], [sflag:s4] =	dma.local [hbm:s10], $0x10  }
0x229: {  	s7 =	sadd.s32 $0x8, s7;
	s10 =	sld [smem:s8+$0xFFFFFFFC]  }
0x22a: {  	p0 =	slt.u32 s7, $0x1F8;
	_ =	sdelay $0x2  }
0x22b: {  	s10 =	sshll.u32 s10, $0x4  }
0x22c: {  	s11 =	sadd.s32 $0xFFFFFC80, s9;
	s10 =	sand.u32 $0x1FFFFFF0, s10  }
0x22d: {  	s11 =	sshrl.u32 s11, $0x3;
	s10 =	sadd.s32 s3, s10  }
0x22e: {  	[spmem:s11], [sflag:s4] =	dma.local [hbm:s10], $0x10  }
0x22f: {  	s10 =	sld [smem:s8+$0xFFFFFFFD];
	_ =	sdelay $0x3  }
0x230: {  	s10 =	sshll.u32 s10, $0x4  }
0x231: {  	s11 =	sadd.s32 $0xFFFFFD00, s9;
	s10 =	sand.u32 $0x1FFFFFF0, s10  }
0x232: {  	s11 =	sshrl.u32 s11, $0x3;
	s10 =	sadd.s32 s3, s10  }
0x233: {  	[spmem:s11], [sflag:s4] =	dma.local [hbm:s10], $0x10  }
0x234: {  	s10 =	sld [smem:s8+$0xFFFFFFFE];
	_ =	sdelay $0x3  }
0x235: {  	s10 =	sshll.u32 s10, $0x4  }
0x236: {  	s11 =	sadd.s32 $0xFFFFFD80, s9;
	s10 =	sand.u32 $0x1FFFFFF0, s10  }
0x237: {  	s11 =	sshrl.u32 s11, $0x3;
	s10 =	sadd.s32 s3, s10  }
0x238: {  	[spmem:s11], [sflag:s4] =	dma.local [hbm:s10], $0x10  }
0x239: {  	s10 =	sld [smem:s8+$0xFFFFFFFF];
	_ =	sdelay $0x3  }
0x23a: {  	s10 =	sshll.u32 s10, $0x4  }
0x23b: {  	s11 =	sadd.s32 $0xFFFFFE00, s9;
	s10 =	sand.u32 $0x1FFFFFF0, s10  }
0x23c: {  	s11 =	sshrl.u32 s11, $0x3;
	s10 =	sadd.s32 s3, s10  }
0x23d: {  	[spmem:s11], [sflag:s4] =	dma.local [hbm:s10], $0x10  }
0x23e: {  	s10 =	sld [smem:s8+$0x0];
	_ =	sdelay $0x3  }
0x23f: {  	s10 =	sshll.u32 s10, $0x4  }
0x240: {  	s11 =	sadd.s32 $0xFFFFFE80, s9;
	s10 =	sand.u32 $0x1FFFFFF0, s10  }
0x241: {  	s11 =	sshrl.u32 s11, $0x3;
	s10 =	sadd.s32 s3, s10  }
0x242: {  	[spmem:s11], [sflag:s4] =	dma.local [hbm:s10], $0x10  }
0x243: {  	s10 =	sld [smem:s8+$0x1];
	_ =	sdelay $0x3  }
0x244: {  	s10 =	sshll.u32 s10, $0x4  }
0x245: {  	s11 =	sadd.s32 $0xFFFFFF00, s9;
	s10 =	sand.u32 $0x1FFFFFF0, s10  }
0x246: {  	s11 =	sshrl.u32 s11, $0x3;
	s10 =	sadd.s32 s3, s10  }
0x247: {  	[spmem:s11], [sflag:s4] =	dma.local [hbm:s10], $0x10  }
0x248: {  	s10 =	sld [smem:s8+$0x2];
	_ =	sdelay $0x3  }
0x249: {  	s10 =	sshll.u32 s10, $0x4  }
0x24a: {  	s11 =	sadd.s32 $0xFFFFFF80, s9;
	s10 =	sand.u32 $0x1FFFFFF0, s10  }
0x24b: {  	s11 =	sshrl.u32 s11, $0x3;
	s10 =	sadd.s32 s3, s10  }
0x24c: {  	[spmem:s11], [sflag:s4] =	dma.local [hbm:s10], $0x10  }
0x24d: {  	s10 =	sld [smem:s8+$0x3];
	_ =	sdelay $0x2  }
.Ltmp4:
0x24e: {  	(pc) =	sbr.rel @p0 .LBB1_9-.Ltmp4, $3  }
0x24f: {  	s10 =	sshll.u32 s10, $0x4  }
0x250: {  	s8 =	sadd.s32 $0x8, s8;
	s10 =	sand.u32 $0x1FFFFFF0, s10  }
0x251: {  	s11 =	sshrl.u32 s9, $0x3;
	s9 =	sadd.s32 $0x400, s9;
	s10 =	sadd.s32 s3, s10  }
0x252: {  	[spmem:s11], [sflag:s4] =	dma.local [hbm:s10], $0x10  }
0x253: {  	s7 =	sadd.s32 $0x140, s6;
	s8 =	simm.s32 $0x10;
	s22 =	simm.s32 $0xA  }
0x254: {  	[smem:s8], [sflag:s2] =	dma.local [hbm:s7], $0x40  }
0x255: {  	_ =	swait.ge [sflag:s22], $0x40  }
0x256: {  	[sflag:s22] =	ssyncset.done $0x0  }
0x257: {  	[sflag:s22] =	ssyncadd.s32 $0xFFFFFFC0  }
0x258: {  	s7 =	sld [smem:$0x10];
	_ =	sdelay $0x3  }
0x259: {  	s7 =	sshll.u32 s7, $0x4  }
0x25a: {  	s7 =	sand.u32 $0x1FFFFFF0, s7  }
0x25b: {  	s23 =	simm.s32 $0xA000;
	s7 =	sadd.s32 s3, s7  }
0x25c: {  	[spmem:s23], [sflag:s4] =	dma.local [hbm:s7], $0x10  }
0x25d: {  	s7 =	sld [smem:$0x11];
	_ =	sdelay $0x3  }
0x25e: {  	s7 =	sshll.u32 s7, $0x4  }
0x25f: {  	s7 =	sand.u32 $0x1FFFFFF0, s7  }
0x260: {  	s24 =	simm.s32 $0xA010;
	s7 =	sadd.s32 s3, s7  }
0x261: {  	[spmem:s24], [sflag:s4] =	dma.local [hbm:s7], $0x10  }
0x262: {  	s7 =	sld [smem:$0x12];
	_ =	sdelay $0x3  }
0x263: {  	s7 =	sshll.u32 s7, $0x4  }
0x264: {  	s7 =	sand.u32 $0x1FFFFFF0, s7  }
0x265: {  	s25 =	simm.s32 $0xA020;
	s7 =	sadd.s32 s3, s7  }
0x266: {  	[spmem:s25], [sflag:s4] =	dma.local [hbm:s7], $0x10  }
0x267: {  	s7 =	sld [smem:$0x13];
	_ =	sdelay $0x3  }
0x268: {  	s7 =	sshll.u32 s7, $0x4  }
0x269: {  	s7 =	sand.u32 $0x1FFFFFF0, s7  }
0x26a: {  	s26 =	simm.s32 $0xA030;
	s7 =	sadd.s32 s3, s7  }
0x26b: {  	[spmem:s26], [sflag:s4] =	dma.local [hbm:s7], $0x10  }
0x26c: {  	s7 =	sld [smem:$0x14];
	_ =	sdelay $0x3  }
0x26d: {  	s7 =	sshll.u32 s7, $0x4  }
0x26e: {  	s7 =	sand.u32 $0x1FFFFFF0, s7  }
0x26f: {  	s28 =	simm.s32 $0xA040;
	s7 =	sadd.s32 s3, s7  }
0x270: {  	[spmem:s28], [sflag:s4] =	dma.local [hbm:s7], $0x10  }
0x271: {  	s7 =	sld [smem:$0x15];
	_ =	sdelay $0x3  }
0x272: {  	s7 =	sshll.u32 s7, $0x4  }
0x273: {  	s7 =	sand.u32 $0x1FFFFFF0, s7  }
0x274: {  	s29 =	simm.s32 $0xA050;
	s7 =	sadd.s32 s3, s7  }
0x275: {  	[spmem:s29], [sflag:s4] =	dma.local [hbm:s7], $0x10  }
0x276: {  	s7 =	sld [smem:$0x16];
	_ =	sdelay $0x3  }
0x277: {  	s7 =	sshll.u32 s7, $0x4  }
0x278: {  	s7 =	sand.u32 $0x1FFFFFF0, s7  }
0x279: {  	s30 =	simm.s32 $0xA060;
	s7 =	sadd.s32 s3, s7  }
0x27a: {  	[spmem:s30], [sflag:s4] =	dma.local [hbm:s7], $0x10  }
0x27b: {  	s7 =	sld [smem:$0x17];
	_ =	sdelay $0x3  }
0x27c: {  	s31 =	sshll.u32 s7, $0x4  }
0x27d: {  	s11 =	simm.s32 $0xA070;
	s8 =	simm.s32 $0x1C;
	s9 =	sand.u32 $0x1FFFFFF0, s31  }
0x27e: {  	s7 =	simm.s32 $0x0;
	s10 =	sadd.s32 s3, s9;
	s9 =	simm.s32 $0x50780  }
.LBB1_11:
0x27f: {  	[spmem:s11], [sflag:s4] =	dma.local [hbm:s10], $0x10  }
0x280: {  	s7 =	sadd.s32 $0x8, s7;
	s10 =	sld [smem:s8+$0xFFFFFFFC]  }
0x281: {  	p0 =	slt.u32 s7, $0x1F8;
	_ =	sdelay $0x2  }
0x282: {  	s10 =	sshll.u32 s10, $0x4  }
0x283: {  	s11 =	sadd.s32 $0xFFFFFC80, s9;
	s10 =	sand.u32 $0x1FFFFFF0, s10  }
0x284: {  	s11 =	sshrl.u32 s11, $0x3;
	s10 =	sadd.s32 s3, s10  }
0x285: {  	[spmem:s11], [sflag:s4] =	dma.local [hbm:s10], $0x10  }
0x286: {  	s10 =	sld [smem:s8+$0xFFFFFFFD];
	_ =	sdelay $0x3  }
0x287: {  	s10 =	sshll.u32 s10, $0x4  }
0x288: {  	s11 =	sadd.s32 $0xFFFFFD00, s9;
	s10 =	sand.u32 $0x1FFFFFF0, s10  }
0x289: {  	s11 =	sshrl.u32 s11, $0x3;
	s10 =	sadd.s32 s3, s10  }
0x28a: {  	[spmem:s11], [sflag:s4] =	dma.local [hbm:s10], $0x10  }
0x28b: {  	s10 =	sld [smem:s8+$0xFFFFFFFE];
	_ =	sdelay $0x3  }
0x28c: {  	s10 =	sshll.u32 s10, $0x4  }
0x28d: {  	s11 =	sadd.s32 $0xFFFFFD80, s9;
	s10 =	sand.u32 $0x1FFFFFF0, s10  }
0x28e: {  	s11 =	sshrl.u32 s11, $0x3;
	s10 =	sadd.s32 s3, s10  }
0x28f: {  	[spmem:s11], [sflag:s4] =	dma.local [hbm:s10], $0x10  }
0x290: {  	s10 =	sld [smem:s8+$0xFFFFFFFF];
	_ =	sdelay $0x3  }
0x291: {  	s10 =	sshll.u32 s10, $0x4  }
0x292: {  	s11 =	sadd.s32 $0xFFFFFE00, s9;
	s10 =	sand.u32 $0x1FFFFFF0, s10  }
0x293: {  	s11 =	sshrl.u32 s11, $0x3;
	s10 =	sadd.s32 s3, s10  }
0x294: {  	[spmem:s11], [sflag:s4] =	dma.local [hbm:s10], $0x10  }
0x295: {  	s10 =	sld [smem:s8+$0x0];
	_ =	sdelay $0x3  }
0x296: {  	s10 =	sshll.u32 s10, $0x4  }
0x297: {  	s11 =	sadd.s32 $0xFFFFFE80, s9;
	s10 =	sand.u32 $0x1FFFFFF0, s10  }
0x298: {  	s11 =	sshrl.u32 s11, $0x3;
	s10 =	sadd.s32 s3, s10  }
0x299: {  	[spmem:s11], [sflag:s4] =	dma.local [hbm:s10], $0x10  }
0x29a: {  	s10 =	sld [smem:s8+$0x1];
	_ =	sdelay $0x3  }
0x29b: {  	s10 =	sshll.u32 s10, $0x4  }
0x29c: {  	s11 =	sadd.s32 $0xFFFFFF00, s9;
	s10 =	sand.u32 $0x1FFFFFF0, s10  }
0x29d: {  	s11 =	sshrl.u32 s11, $0x3;
	s10 =	sadd.s32 s3, s10  }
0x29e: {  	[spmem:s11], [sflag:s4] =	dma.local [hbm:s10], $0x10  }
0x29f: {  	s10 =	sld [smem:s8+$0x2];
	_ =	sdelay $0x3  }
0x2a0: {  	s10 =	sshll.u32 s10, $0x4  }
0x2a1: {  	s11 =	sadd.s32 $0xFFFFFF80, s9;
	s10 =	sand.u32 $0x1FFFFFF0, s10  }
0x2a2: {  	s11 =	sshrl.u32 s11, $0x3;
	s10 =	sadd.s32 s3, s10  }
0x2a3: {  	[spmem:s11], [sflag:s4] =	dma.local [hbm:s10], $0x10  }
0x2a4: {  	s10 =	sld [smem:s8+$0x3];
	_ =	sdelay $0x2  }
.Ltmp5:
0x2a5: {  	(pc) =	sbr.rel @p0 .LBB1_11-.Ltmp5, $3  }
0x2a6: {  	s10 =	sshll.u32 s10, $0x4  }
0x2a7: {  	s8 =	sadd.s32 $0x8, s8;
	s10 =	sand.u32 $0x1FFFFFF0, s10  }
0x2a8: {  	s11 =	sshrl.u32 s9, $0x3;
	s9 =	sadd.s32 $0x400, s9;
	s10 =	sadd.s32 s3, s10  }
0x2a9: {  	[spmem:s11], [sflag:s4] =	dma.local [hbm:s10], $0x10  }
0x2aa: {  	s6 =	sadd.s32 $0x180, s6;
	s7 =	simm.s32 $0x10;
	s23 =	simm.s32 $0xA  }
0x2ab: {  	[smem:s7], [sflag:s2] =	dma.local [hbm:s6], $0x40  }
0x2ac: {  	_ =	swait.ge [sflag:s23], $0x40  }
0x2ad: {  	[sflag:s23] =	ssyncset.done $0x0  }
0x2ae: {  	[sflag:s23] =	ssyncadd.s32 $0xFFFFFFC0  }
0x2af: {  	s6 =	sld [smem:$0x10];
	_ =	sdelay $0x3  }
0x2b0: {  	s6 =	sshll.u32 s6, $0x4  }
0x2b1: {  	s6 =	sand.u32 $0x1FFFFFF0, s6  }
0x2b2: {  	s24 =	simm.s32 $0xC000;
	s6 =	sadd.s32 s3, s6  }
0x2b3: {  	[spmem:s24], [sflag:s4] =	dma.local [hbm:s6], $0x10  }
0x2b4: {  	s6 =	sld [smem:$0x11];
	_ =	sdelay $0x3  }
0x2b5: {  	s6 =	sshll.u32 s6, $0x4  }
0x2b6: {  	s6 =	sand.u32 $0x1FFFFFF0, s6  }
0x2b7: {  	s25 =	simm.s32 $0xC010;
	s6 =	sadd.s32 s3, s6  }
0x2b8: {  	[spmem:s25], [sflag:s4] =	dma.local [hbm:s6], $0x10  }
0x2b9: {  	s6 =	sld [smem:$0x12];
	_ =	sdelay $0x3  }
0x2ba: {  	s6 =	sshll.u32 s6, $0x4  }
0x2bb: {  	s6 =	sand.u32 $0x1FFFFFF0, s6  }
0x2bc: {  	s26 =	simm.s32 $0xC020;
	s6 =	sadd.s32 s3, s6  }
0x2bd: {  	[spmem:s26], [sflag:s4] =	dma.local [hbm:s6], $0x10  }
0x2be: {  	s6 =	sld [smem:$0x13];
	_ =	sdelay $0x3  }
0x2bf: {  	s6 =	sshll.u32 s6, $0x4  }
0x2c0: {  	s6 =	sand.u32 $0x1FFFFFF0, s6  }
0x2c1: {  	s28 =	simm.s32 $0xC030;
	s6 =	sadd.s32 s3, s6  }
0x2c2: {  	[spmem:s28], [sflag:s4] =	dma.local [hbm:s6], $0x10  }
0x2c3: {  	s6 =	sld [smem:$0x14];
	_ =	sdelay $0x3  }
0x2c4: {  	s6 =	sshll.u32 s6, $0x4  }
0x2c5: {  	s6 =	sand.u32 $0x1FFFFFF0, s6  }
0x2c6: {  	s29 =	simm.s32 $0xC040;
	s6 =	sadd.s32 s3, s6  }
0x2c7: {  	[spmem:s29], [sflag:s4] =	dma.local [hbm:s6], $0x10  }
0x2c8: {  	s6 =	sld [smem:$0x15];
	_ =	sdelay $0x3  }
0x2c9: {  	s6 =	sshll.u32 s6, $0x4  }
0x2ca: {  	s6 =	sand.u32 $0x1FFFFFF0, s6  }
0x2cb: {  	s30 =	simm.s32 $0xC050;
	s6 =	sadd.s32 s3, s6  }
0x2cc: {  	[spmem:s30], [sflag:s4] =	dma.local [hbm:s6], $0x10  }
0x2cd: {  	s6 =	sld [smem:$0x16];
	_ =	sdelay $0x3  }
0x2ce: {  	s6 =	sshll.u32 s6, $0x4  }
0x2cf: {  	s6 =	sand.u32 $0x1FFFFFF0, s6  }
0x2d0: {  	s31 =	simm.s32 $0xC060;
	s6 =	sadd.s32 s3, s6  }
0x2d1: {  	[spmem:s31], [sflag:s4] =	dma.local [hbm:s6], $0x10  }
0x2d2: {  	s7 =	sld [smem:$0x17];
	_ =	sdelay $0x3  }
0x2d3: {  	s11 =	simm.s32 $0xC070;
	s8 =	sshll.u32 s7, $0x4  }
0x2d4: {  	s6 =	simm.s32 $0xFFFFFFF8;
	s7 =	simm.s32 $0x0;
	s9 =	sand.u32 $0x1FFFFFF0, s8  }
0x2d5: {  	s8 =	simm.s32 $0x1C;
	s10 =	sadd.s32 s3, s9;
	s9 =	simm.s32 $0x60780  }
.LBB1_13:
0x2d6: {  	[spmem:s11], [sflag:s4] =	dma.local [hbm:s10], $0x10  }
0x2d7: {  	s7 =	sadd.s32 $0x8, s7;
	s10 =	sld [smem:s8+$0xFFFFFFFC]  }
0x2d8: {  	p0 =	slt.u32 s7, $0x1F8;
	_ =	sdelay $0x2  }
0x2d9: {  	s10 =	sshll.u32 s10, $0x4  }
0x2da: {  	s11 =	sadd.s32 $0xFFFFFC80, s9;
	s10 =	sand.u32 $0x1FFFFFF0, s10  }
0x2db: {  	s11 =	sshrl.u32 s11, $0x3;
	s10 =	sadd.s32 s3, s10  }
0x2dc: {  	[spmem:s11], [sflag:s4] =	dma.local [hbm:s10], $0x10  }
0x2dd: {  	s10 =	sld [smem:s8+$0xFFFFFFFD];
	_ =	sdelay $0x3  }
0x2de: {  	s10 =	sshll.u32 s10, $0x4  }
0x2df: {  	s11 =	sadd.s32 $0xFFFFFD00, s9;
	s10 =	sand.u32 $0x1FFFFFF0, s10  }
0x2e0: {  	s11 =	sshrl.u32 s11, $0x3;
	s10 =	sadd.s32 s3, s10  }
0x2e1: {  	[spmem:s11], [sflag:s4] =	dma.local [hbm:s10], $0x10  }
0x2e2: {  	s10 =	sld [smem:s8+$0xFFFFFFFE];
	_ =	sdelay $0x3  }
0x2e3: {  	s10 =	sshll.u32 s10, $0x4  }
0x2e4: {  	s11 =	sadd.s32 $0xFFFFFD80, s9;
	s10 =	sand.u32 $0x1FFFFFF0, s10  }
0x2e5: {  	s11 =	sshrl.u32 s11, $0x3;
	s10 =	sadd.s32 s3, s10  }
0x2e6: {  	[spmem:s11], [sflag:s4] =	dma.local [hbm:s10], $0x10  }
0x2e7: {  	s10 =	sld [smem:s8+$0xFFFFFFFF];
	_ =	sdelay $0x3  }
0x2e8: {  	s10 =	sshll.u32 s10, $0x4  }
0x2e9: {  	s11 =	sadd.s32 $0xFFFFFE00, s9;
	s10 =	sand.u32 $0x1FFFFFF0, s10  }
0x2ea: {  	s11 =	sshrl.u32 s11, $0x3;
	s10 =	sadd.s32 s3, s10  }
0x2eb: {  	[spmem:s11], [sflag:s4] =	dma.local [hbm:s10], $0x10  }
0x2ec: {  	s10 =	sld [smem:s8+$0x0];
	_ =	sdelay $0x3  }
0x2ed: {  	s10 =	sshll.u32 s10, $0x4  }
0x2ee: {  	s11 =	sadd.s32 $0xFFFFFE80, s9;
	s10 =	sand.u32 $0x1FFFFFF0, s10  }
0x2ef: {  	s11 =	sshrl.u32 s11, $0x3;
	s10 =	sadd.s32 s3, s10  }
0x2f0: {  	[spmem:s11], [sflag:s4] =	dma.local [hbm:s10], $0x10  }
0x2f1: {  	s10 =	sld [smem:s8+$0x1];
	_ =	sdelay $0x3  }
0x2f2: {  	s10 =	sshll.u32 s10, $0x4  }
0x2f3: {  	s11 =	sadd.s32 $0xFFFFFF00, s9;
	s10 =	sand.u32 $0x1FFFFFF0, s10  }
0x2f4: {  	s11 =	sshrl.u32 s11, $0x3;
	s10 =	sadd.s32 s3, s10  }
0x2f5: {  	[spmem:s11], [sflag:s4] =	dma.local [hbm:s10], $0x10  }
0x2f6: {  	s10 =	sld [smem:s8+$0x2];
	_ =	sdelay $0x3  }
0x2f7: {  	s10 =	sshll.u32 s10, $0x4  }
0x2f8: {  	s11 =	sadd.s32 $0xFFFFFF80, s9;
	s10 =	sand.u32 $0x1FFFFFF0, s10  }
0x2f9: {  	s11 =	sshrl.u32 s11, $0x3;
	s10 =	sadd.s32 s3, s10  }
0x2fa: {  	[spmem:s11], [sflag:s4] =	dma.local [hbm:s10], $0x10  }
0x2fb: {  	s10 =	sld [smem:s8+$0x3];
	_ =	sdelay $0x2  }
.Ltmp6:
0x2fc: {  	(pc) =	sbr.rel @p0 .LBB1_13-.Ltmp6, $3  }
0x2fd: {  	s10 =	sshll.u32 s10, $0x4  }
0x2fe: {  	s8 =	sadd.s32 $0x8, s8;
	s10 =	sand.u32 $0x1FFFFFF0, s10  }
0x2ff: {  	s11 =	sshrl.u32 s9, $0x3;
	s9 =	sadd.s32 $0x400, s9;
	s10 =	sadd.s32 s3, s10  }
0x300: {  	[spmem:s11], [sflag:s4] =	dma.local [hbm:s10], $0x10  }
0x301: {  	s3 =	simm.s32 $0x9  }
.LBB1_15:
0x302: {  	_ =	sdelay $0x1  }
0x303: {  	_ =	swait.ge [sflag:s3], $0x10  }
0x304: {  	[sflag:s3] =	ssyncset.done $0x0  }
0x305: {  	[sflag:s3] =	ssyncadd.s32 $0xFFFFFFF0;
	_ =	sdelay $0x2  }
0x306: {  	_ =	swait.ge [sflag:s3], $0x10  }
0x307: {  	[sflag:s3] =	ssyncset.done $0x0  }
0x308: {  	[sflag:s3] =	ssyncadd.s32 $0xFFFFFFF0;
	_ =	sdelay $0x2  }
0x309: {  	_ =	swait.ge [sflag:s3], $0x10  }
0x30a: {  	[sflag:s3] =	ssyncset.done $0x0  }
0x30b: {  	[sflag:s3] =	ssyncadd.s32 $0xFFFFFFF0;
	_ =	sdelay $0x2  }
0x30c: {  	_ =	swait.ge [sflag:s3], $0x10  }
0x30d: {  	[sflag:s3] =	ssyncset.done $0x0  }
0x30e: {  	[sflag:s3] =	ssyncadd.s32 $0xFFFFFFF0;
	_ =	sdelay $0x2  }
0x30f: {  	_ =	swait.ge [sflag:s3], $0x10  }
0x310: {  	[sflag:s3] =	ssyncset.done $0x0  }
0x311: {  	[sflag:s3] =	ssyncadd.s32 $0xFFFFFFF0;
	_ =	sdelay $0x2  }
0x312: {  	_ =	swait.ge [sflag:s3], $0x10  }
0x313: {  	[sflag:s3] =	ssyncset.done $0x0  }
0x314: {  	[sflag:s3] =	ssyncadd.s32 $0xFFFFFFF0;
	_ =	sdelay $0x2  }
0x315: {  	_ =	swait.ge [sflag:s3], $0x10  }
0x316: {  	[sflag:s3] =	ssyncset.done $0x0  }
0x317: {  	s6 =	sadd.s32 $0x8, s6;
	[sflag:s3] =	ssyncadd.s32 $0xFFFFFFF0  }
0x318: {  	p0 =	slt.u32 s6, $0xDF8  }
.Ltmp7:
0x319: {  	_ = 	snop;
	(pc) =	sbr.rel @p0 .LBB1_15-.Ltmp7, $3  }
0x31a: {  	_ =	swait.ge [sflag:s3], $0x10  }
0x31b: {  	[sflag:s3] =	ssyncset.done $0x0  }
0x31c: {  	[sflag:s3] =	ssyncadd.s32 $0xFFFFFFF0  }
0x31d: {  	s3 =	smul.u32 $0xE000, s0;
	_ =	sdelay $0x1  }
0x31e: {  	s4 =	simm.s32 $0x0;
	s26 =	simm.s32 $0xA;
	s3 =	sadd.s32 s3, s5  }
0x31f: {  	[hbm:s3], [sflag:s2] =	dma.local [spmem:s4], $0xE000  }
0x320: {  	_ =	swait.ge [sflag:s26], $0xE000  }
0x321: {  	[sflag:s26] =	ssyncset.done $0x0  }
0x322: {  	[sflag:s26] =	ssyncadd.s32 $0xFFFF2000  }
0x323: {  	_ =	strace $0x90000046  }
0x324: {  	_ =	sfence  }
0x325: {  	s28 =	sld [smem:$0x0];
	_ =	sdelay $0x2  }
0x326: {  	s29 =	sshll.u32 s1, $0xD;
	s30 =	sshrl.u32 s1, $0x2  }
0x327: {  	s3 =	sand.u32 $0x4000, s29;
	s1 =	sadd.s32 s30, s28  }
0x328: {  	s31 =	sor.u32 s3, s0;
	s1 =	sshll.u32 s1, $0x11  }
0x329: {  	s0 =	sor.u32 s1, s31  }
0x32a: {  	s0 =	sadd.s32 $0x8F2B, s0;
	(pc) =	sbr.abs _section_cstart, $3  }
0x32b: {  	[sflag:s0] =	ssyncadd.remote.s32 $0x1  }
0x32c: {  	_ =	strace $0x9FFFFFFF  }
0x32d: {  	(tm) =	ssettm $0x7FFFFFFF  }

</sc_bundles>
